<compile_context>
chip_gen: v7x
topology: tpu7x:2x2x1
jax: 0.10.2.dev20260603
libtpu: 0.0.44.dev20260713+nightly
codegen_flags: <defaults>
</compile_context>

<pallas_src>
import jax
import jax.numpy as jnp
from jax import lax
from jax.experimental import pallas as pl
from jax.experimental.pallas import tpu as pltpu
from jax.experimental.pallas import tpu_sc as plsc

_B = 4096
_L = 50
_E = 32
_N = _B * _L
_V = 1000000
_LBL = 1000
_LBL_PAD = 1024

_NC = 2
_NS = 16
_NW = _NC * _NS
_PER_W = _N // _NW
_CH = 128
_NCH = _PER_W // _CH
_PAIRS = _NCH // 2

_NTC = _V // 128
_KFULL = 244


def _sc_transpose_body(tt_hbm, tail_hbm, out_hbm, abuf0, abuf1, obuf0, obuf1, st0, st1, os0, os1):
    abufs = (abuf0, abuf1)
    obufs = (obuf0, obuf1)
    wid = lax.axis_index("s") * _NC + lax.axis_index("c")
    v16 = lax.iota(jnp.int32, 16)
    pat32 = v16 * 32

    def stage(c, slot, sem):
        off = pl.multiple_of(c * 128, 128)
        for eb in range(4):
            pltpu.async_copy(
                tt_hbm.at[pl.ds(8 * eb, 8), pl.ds(off, 128)],
                abufs[slot].at[pl.ds(8 * eb, 8)], sem)

    def stage_wait(c, slot, sem):
        off = pl.multiple_of(c * 128, 128)
        for eb in range(4):
            pltpu.make_async_copy(
                tt_hbm.at[pl.ds(8 * eb, 8), pl.ds(off, 128)],
                abufs[slot].at[pl.ds(8 * eb, 8)], sem).wait()

    def shuffle(slot):
        @plsc.parallel_loop(0, 256, step=1, unroll=8)
        def _(m):
            e0 = m >> 3
            g = m & 7
            e_vec = (e0 + v16) & 31
            val = plsc.load_gather(abufs[slot], [e_vec, g * 16 + v16])
            plsc.store_scatter(obufs[slot], [g * 512 + pat32 + e_vec], val)

    def out_descr(c, slot, sem):
        return pltpu.make_async_copy(
            obufs[slot], out_hbm.at[pl.ds(pl.multiple_of(c * 4096, 8), 4096)],
            sem)

    def col(k):
        return wid + 32 * k

    stage(col(0), 0, st0)
    stage(col(1), 1, st1)

    def half(kk, k, slot, stx, osx):
        stage_wait(col(k), slot, stx)

        @pl.when(kk >= 1)
        def _():
            out_descr(col(k - 2), slot, osx).wait()

        shuffle(slot)
        out_descr(col(k), slot, osx).start()

        @pl.when(k + 2 < _KFULL)
        def _():
            stage(col(k + 2), slot, stx)

    def step(kk, carry):
        half(kk, kk * 2, 0, st0, os0)
        half(kk, kk * 2 + 1, 1, st1, os1)
        return carry

    lax.fori_loop(0, _KFULL // 2, step, 0, unroll=False)
    out_descr(col(_KFULL - 2), 0, os0).wait()
    out_descr(col(_KFULL - 1), 1, os1).wait()

    @pl.when(wid < 4)
    def _():
        c = 7808 + wid
        stage(c, 0, st0)
        stage_wait(c, 0, st0)
        shuffle(0)
        out_descr(c, 0, os0).start()
        out_descr(c, 0, os0).wait()

    @pl.when(wid == 4)
    def _():
        pltpu.sync_copy(tail_hbm, obuf0.at[pl.ds(0, 2048)])
        pltpu.sync_copy(obuf0.at[pl.ds(0, 2048)],
                        out_hbm.at[pl.ds(7812 * 4096, 2048)])


def _sc_table_rowmajor(tt, tail):
    mesh = plsc.VectorSubcoreMesh(core_axis_name="c", subcore_axis_name="s")
    fn = pl.kernel(
        _sc_transpose_body,
        out_type=jax.ShapeDtypeStruct((_V * _E,), jnp.float32),
        mesh=mesh,
        scratch_types=[
            pltpu.VMEM((32, 128), jnp.float32),
            pltpu.VMEM((32, 128), jnp.float32),
            pltpu.VMEM((4096,), jnp.float32),
            pltpu.VMEM((4096,), jnp.float32),
            pltpu.SemaphoreType.DMA,
            pltpu.SemaphoreType.DMA,
            pltpu.SemaphoreType.DMA,
            pltpu.SemaphoreType.DMA,
        ],
        compiler_params=pltpu.CompilerParams(
            use_tc_tiling_on_sc=True, needs_layout_passes=False,
            disable_bounds_checks=True),
    )
    return fn(tt, tail).reshape(_V, _E)


def _sc_gather_body(idx_hbm, table_hbm, out_hbm, idx_v, rows_v, gs0, gs1, ss0, ss1):
    wid = lax.axis_index("s") * _NC + lax.axis_index("c")
    base = wid * _PER_W

    pltpu.sync_copy(idx_hbm.at[pl.ds(base, _PER_W)], idx_v)

    def idx_slice(j):
        return idx_v.at[pl.ds(pl.multiple_of(j * _CH, _CH), _CH)]

    def fire_gather(j, buf, sem):
        pltpu.async_copy(table_hbm.at[idx_slice(j)], rows_v.at[buf], sem)

    def wait_gather(j, buf, sem):
        pltpu.make_async_copy(table_hbm.at[idx_slice(j)], rows_v.at[buf], sem).wait()

    def store_descr(j, buf, sem):
        row0 = pl.multiple_of(base + j * _CH, _CH)
        return pltpu.make_async_copy(
            rows_v.at[buf], out_hbm.at[pl.ds(row0, _CH)], sem)

    fire_gather(0, 0, gs0)
    fire_gather(1, 1, gs1)

    def step(jj, carry):
        j0 = jj * 2
        j1 = j0 + 1
        wait_gather(j0, 0, gs0)
        store_descr(j0, 0, ss0).start()
        wait_gather(j1, 1, gs1)
        store_descr(j1, 1, ss1).start()

        @pl.when(jj < _PAIRS - 1)
        def _():
            store_descr(j0, 0, ss0).wait()
            fire_gather(j0 + 2, 0, gs0)
            store_descr(j1, 1, ss1).wait()
            fire_gather(j1 + 2, 1, gs1)

        return carry

    lax.fori_loop(0, _PAIRS, step, 0)
    store_descr(_NCH - 2, 0, ss0).wait()
    store_descr(_NCH - 1, 1, ss1).wait()


def _sc_gather(idx1d, table):
    mesh = plsc.VectorSubcoreMesh(core_axis_name="c", subcore_axis_name="s")
    fn = pl.kernel(
        _sc_gather_body,
        out_type=jax.ShapeDtypeStruct((_N, _E), jnp.float32),
        mesh=mesh,
        scratch_types=[
            pltpu.VMEM((_PER_W,), jnp.int32),
            pltpu.VMEM((2, _CH, _E), jnp.float32),
            pltpu.SemaphoreType.DMA,
            pltpu.SemaphoreType.DMA,
            pltpu.SemaphoreType.DMA,
            pltpu.SemaphoreType.DMA,
        ],
        compiler_params=pltpu.CompilerParams(use_tc_tiling_on_sc=False),
    )
    return fn(idx1d, table)


def _head_body(flat_ref, w_ref, bias_ref, out_ref):
    a = flat_ref[...].astype(jnp.bfloat16)
    logits = lax.dot_general(
        w_ref[...], a, (((1,), (1,)), ((), ())),
        preferred_element_type=jnp.float32,
    )
    logits = logits + bias_ref[...]
    m = jnp.max(logits, axis=0, keepdims=True)
    e = jnp.exp(logits - m)
    s = jnp.sum(e, axis=0, keepdims=True)
    res = logits - m - jnp.log(s)
    out_ref[...] = res[: _LBL, :]


def _tc_head(flat, wpad, bias):
    bs = 512
    grid = (_B // bs,)
    return pl.pallas_call(
        _head_body,
        grid=grid,
        in_specs=[
            pl.BlockSpec((bs, _L * _E), lambda i: (i, 0)),
            pl.BlockSpec((_LBL_PAD, _L * _E), lambda i: (0, 0)),
            pl.BlockSpec((_LBL_PAD, 1), lambda i: (0, 0)),
        ],
        out_specs=pl.BlockSpec((_LBL, bs), lambda i: (0, i)),
        out_shape=jax.ShapeDtypeStruct((_LBL, _B), jnp.float32),
    )(flat, wpad, bias)


def kernel(x, table, W, b):
    idx1d = x.reshape(_N).astype(jnp.int32)
    tail = table[_V - 64:, :].reshape(64 * _E)
    tbl_rm = _sc_table_rowmajor(table.T, tail)
    emb = _sc_gather(idx1d, tbl_rm)
    flat = emb.reshape(_B, _L * _E)
    wpad = jnp.pad(W, ((0, _LBL_PAD - _LBL), (0, 0))).astype(jnp.bfloat16)
    bias = jnp.concatenate([b, jnp.full((_LBL_PAD - _LBL,), -1e30, b.dtype)])
    out_t = _tc_head(flat, wpad, bias.reshape(_LBL_PAD, 1))
    return out_t.T

# --- scband reference (transcript-rebuilt; emitter-appended) ---
"""Pipeline reference for scband-model-34110630265563 (READ-ONLY COPY).

The authoritative reference and input builder live on the scoring server;
editing this copy changes nothing except your own understanding.
"""

import jax, jax.numpy as jnp
import numpy as np

VOCAB = 1000000
LABEL = 1000
MAX_LEN = 50
EMBED = 32
BATCH = 4096

def setup_inputs(seed: int = 0) -> dict:
    key = jax.random.key(seed)
    k1, k2, k3 = jax.random.split(key, 3)
    x = jax.random.randint(k1, (BATCH, MAX_LEN), 0, VOCAB, dtype=jnp.int64) if jax.config.jax_enable_x64 else jax.random.randint(k1, (BATCH, MAX_LEN), 0, VOCAB, dtype=jnp.int32)
    table = jax.random.normal(k2, (VOCAB, EMBED), dtype=jnp.float32) * 0.02
    W = jax.random.normal(k3, (LABEL, EMBED * MAX_LEN), dtype=jnp.float32) * 0.02
    b = jnp.zeros((LABEL,), dtype=jnp.float32)
    return {"x": x, "table": table, "W": W, "b": b}

def reference(x, table, W, b):
    # nn.Embedding lookup -> gather rows
    emb = jnp.take(table, x, axis=0)               # [B, L, E]
    flat = emb.reshape(emb.shape[0], -1)           # [B, L*E]
    logits = flat @ W.T + b                        # [B, LABEL]
    # dropout is identity in eval / deterministic reference
    return jax.nn.log_softmax(logits, axis=-1)

if __name__ == "__main__":
    import jax
    _d = setup_inputs()
    print(jax.jit(kernel)(*tuple(_d.values())))

</pallas_src>

<mosaic_0001>
#map = affine_map<(d0, d1) -> (0)>
#map1 = affine_map<(d0, d1) -> (0, 0)>
module attributes {stable_mosaic.version = 14 : i64} {
  func.func @_sc_gather_body(%arg0: i32, %arg1: i32, %arg2: memref<204800xi32, #tpu.memory_space<hbm>>, %arg3: memref<1000000x32xf32, #tpu.memory_space<hbm>>, %arg4: memref<204800x32xf32, #tpu.memory_space<hbm>>, %arg5: memref<6400xi32, #tpu.memory_space<vmem>>, %arg6: memref<2x128x32xf32, #tpu.memory_space<vmem>>, %arg7: memref<!tpu.dma_semaphore, #tpu.memory_space<semaphore_mem>>, %arg8: memref<!tpu.dma_semaphore, #tpu.memory_space<semaphore_mem>>, %arg9: memref<!tpu.dma_semaphore, #tpu.memory_space<semaphore_mem>>, %arg10: memref<!tpu.dma_semaphore, #tpu.memory_space<semaphore_mem>>) attributes {dimension_semantics = [#tpu.dimension_semantics<core_parallel>, #tpu.dimension_semantics<subcore_parallel>], iteration_bounds = array<i64: 2, 16>, scalar_prefetch = 0 : i64, scratch_operands = 6 : i64, tpu.core_type = #tpu.core_type<sc_vector_subcore>, window_params = [{transform_indices = #map}, {transform_indices = #map1}, {transform_indices = #map1}]} {
    %mul3A = arith.constant 2 : i32
    %mul3A_0 = arith.muli %arg1, %mul3A : i32
    %add3A = arith.addi %mul3A_0, %arg0 : i32
    %mul3A_1 = arith.constant 6400 : i32
    %mul3A_2 = arith.muli %add3A, %mul3A_1 : i32
    "tpu.region"() ({
      %run_scoped3A = tpu.sem_alloc : memref<!tpu.dma_semaphore, #tpu.memory_space<semaphore_mem>>
      %dma_start3A_59 = tpu.memref_slice %arg2[%mul3A_2] : memref<204800xi32, #tpu.memory_space<hbm>> -> memref<6400xi32, #tpu.memory_space<hbm>>
      %dma_start3A_60 = tpu.memref_slice %arg2[%mul3A_2] : memref<204800xi32, #tpu.memory_space<hbm>> -> memref<6400xi32, #tpu.memory_space<hbm>>
      tpu.enqueue_dma source(%dma_start3A_60 : memref<6400xi32, #tpu.memory_space<hbm>>) target(%arg5 : memref<6400xi32, #tpu.memory_space<vmem>>) target_semaphore(%run_scoped3A : memref<!tpu.dma_semaphore, #tpu.memory_space<semaphore_mem>>)
      %dma_wait3A_61 = tpu.memref_slice %arg2[%mul3A_2] : memref<204800xi32, #tpu.memory_space<hbm>> -> memref<6400xi32, #tpu.memory_space<hbm>>
      %dma_wait3A_62 = tpu.memref_slice %arg2[%mul3A_2] : memref<204800xi32, #tpu.memory_space<hbm>> -> memref<6400xi32, #tpu.memory_space<hbm>>
      tpu.wait_dma2 semaphore(%run_scoped3A : memref<!tpu.dma_semaphore, #tpu.memory_space<semaphore_mem>>) src(%dma_wait3A_62 : memref<6400xi32, #tpu.memory_space<hbm>>) dst(%arg5 : memref<6400xi32, #tpu.memory_space<vmem>>)
      tpu.yield
    }) : () -> ()
    %multiple_of3A = arith.constant 0 : i32
    %multiple_of3A_3 = tpu.assume_multiple %multiple_of3A, 128 : i32
    %dma_start3A = arith.constant 0 : i32
    %dma_start3A_4 = arith.constant 0 : i32
    %dma_start3A_5 = arith.constant 0 : i32
    %dma_start3A_6 = tpu.memref_slice %arg6[%dma_start3A, %dma_start3A_4, %dma_start3A_5] : memref<2x128x32xf32, #tpu.memory_space<vmem>> -> memref<1x128x32xf32, #tpu.memory_space<vmem>>
    %dma_start3A_7 = tpu.memref_squeeze %dma_start3A_6 : memref<1x128x32xf32, #tpu.memory_space<vmem>> -> memref<128x32xf32, #tpu.memory_space<vmem>>
    %dma_start3A_8 = tpu.memref_slice %arg5[%multiple_of3A_3] : memref<6400xi32, #tpu.memory_space<vmem>> -> memref<128xi32, #tpu.memory_space<vmem>>
    %dma_start3A_9 = arith.constant 0 : i32
    %dma_start3A_10 = arith.constant 0 : i32
    %dma_start3A_11 = tpu.memref_slice %arg3[%dma_start3A_9, %dma_start3A_10] : memref<1000000x32xf32, #tpu.memory_space<hbm>> -> memref<1000000x32xf32, #tpu.memory_space<hbm>>
    tpu.enqueue_indirect_dma source(%dma_start3A_11 : memref<1000000x32xf32, #tpu.memory_space<hbm>>) target(%dma_start3A_7 : memref<128x32xf32, #tpu.memory_space<vmem>>) offsets(%dma_start3A_8 : memref<128xi32, #tpu.memory_space<vmem>>) semaphore(%arg7 : memref<!tpu.dma_semaphore, #tpu.memory_space<semaphore_mem>>)
    %multiple_of3A_12 = arith.constant 128 : i32
    %multiple_of3A_13 = tpu.assume_multiple %multiple_of3A_12, 128 : i32
    %dma_start3A_14 = arith.constant 1 : i32
    %dma_start3A_15 = arith.constant 0 : i32
    %dma_start3A_16 = arith.constant 0 : i32
    %dma_start3A_17 = tpu.memref_slice %arg6[%dma_start3A_14, %dma_start3A_15, %dma_start3A_16] : memref<2x128x32xf32, #tpu.memory_space<vmem>> -> memref<1x128x32xf32, #tpu.memory_space<vmem>>
    %dma_start3A_18 = tpu.memref_squeeze %dma_start3A_17 : memref<1x128x32xf32, #tpu.memory_space<vmem>> -> memref<128x32xf32, #tpu.memory_space<vmem>>
    %dma_start3A_19 = tpu.memref_slice %arg5[%multiple_of3A_13] : memref<6400xi32, #tpu.memory_space<vmem>> -> memref<128xi32, #tpu.memory_space<vmem>>
    %dma_start3A_20 = arith.constant 0 : i32
    %dma_start3A_21 = arith.constant 0 : i32
    %dma_start3A_22 = tpu.memref_slice %arg3[%dma_start3A_20, %dma_start3A_21] : memref<1000000x32xf32, #tpu.memory_space<hbm>> -> memref<1000000x32xf32, #tpu.memory_space<hbm>>
    tpu.enqueue_indirect_dma source(%dma_start3A_22 : memref<1000000x32xf32, #tpu.memory_space<hbm>>) target(%dma_start3A_18 : memref<128x32xf32, #tpu.memory_space<vmem>>) offsets(%dma_start3A_19 : memref<128xi32, #tpu.memory_space<vmem>>) semaphore(%arg8 : memref<!tpu.dma_semaphore, #tpu.memory_space<semaphore_mem>>)
    %scan3A = arith.constant 0 : i32
    %scan3A_23 = arith.constant 0 : i32
    %scan3A_24 = arith.constant 25 : i32
    %scan3A_25 = arith.addi %scan3A_23, %scan3A_24 : i32
    %scan3A_26 = arith.constant 1 : i32
    scf.for %scan3A_59 = %scan3A_23 to %scan3A_25 step %scan3A_26  : i32 {
      %mul3A_60 = arith.constant 2 : i32
      %mul3A_61 = arith.muli %scan3A_59, %mul3A_60 : i32
      %add3A_62 = arith.constant 1 : i32
      %add3A_63 = arith.addi %mul3A_61, %add3A_62 : i32
      %mul3A_64 = arith.constant 128 : i32
      %mul3A_65 = arith.muli %mul3A_61, %mul3A_64 : i32
      %multiple_of3A_66 = tpu.assume_multiple %mul3A_65, 128 : i32
      %dma_wait3A_67 = arith.constant 0 : i32
      %dma_wait3A_68 = arith.constant 0 : i32
      %dma_wait3A_69 = arith.constant 0 : i32
      %dma_wait3A_70 = tpu.memref_slice %arg6[%dma_wait3A_67, %dma_wait3A_68, %dma_wait3A_69] : memref<2x128x32xf32, #tpu.memory_space<vmem>> -> memref<1x128x32xf32, #tpu.memory_space<vmem>>
      %dma_wait3A_71 = tpu.memref_squeeze %dma_wait3A_70 : memref<1x128x32xf32, #tpu.memory_space<vmem>> -> memref<128x32xf32, #tpu.memory_space<vmem>>
      %dma_wait3A_72 = tpu.memref_slice %arg5[%multiple_of3A_66] : memref<6400xi32, #tpu.memory_space<vmem>> -> memref<128xi32, #tpu.memory_space<vmem>>
      %dma_wait3A_73 = arith.constant 0 : i32
      %dma_wait3A_74 = arith.constant 0 : i32
      %dma_wait3A_75 = tpu.memref_slice %arg3[%dma_wait3A_73, %dma_wait3A_74] : memref<1000000x32xf32, #tpu.memory_space<hbm>> -> memref<1000000x32xf32, #tpu.memory_space<hbm>>
      tpu.wait_indirect_dma semaphore(%arg7 : memref<!tpu.dma_semaphore, #tpu.memory_space<semaphore_mem>>) src(%dma_wait3A_75 : memref<1000000x32xf32, #tpu.memory_space<hbm>>) dst(%dma_wait3A_71 : memref<128x32xf32, #tpu.memory_space<vmem>>)
      %mul3A_76 = arith.constant 128 : i32
      %mul3A_77 = arith.muli %mul3A_61, %mul3A_76 : i32
      %add3A_78 = arith.addi %mul3A_2, %mul3A_77 : i32
      %multiple_of3A_79 = tpu.assume_multiple %add3A_78, 128 : i32
      %dma_start3A_80 = arith.constant 0 : i32
      %dma_start3A_81 = arith.constant 0 : i32
      %dma_start3A_82 = arith.constant 0 : i32
      %dma_start3A_83 = tpu.memref_slice %arg6[%dma_start3A_80, %dma_start3A_81, %dma_start3A_82] : memref<2x128x32xf32, #tpu.memory_space<vmem>> -> memref<1x128x32xf32, #tpu.memory_space<vmem>>
      %dma_start3A_84 = tpu.memref_squeeze %dma_start3A_83 : memref<1x128x32xf32, #tpu.memory_space<vmem>> -> memref<128x32xf32, #tpu.memory_space<vmem>>
      %dma_start3A_85 = arith.constant 0 : i32
      %dma_start3A_86 = tpu.memref_slice %arg4[%multiple_of3A_79, %dma_start3A_85] : memref<204800x32xf32, #tpu.memory_space<hbm>> -> memref<128x32xf32, #tpu.memory_space<hbm>>
      %dma_start3A_87 = arith.constant 0 : i32
      %dma_start3A_88 = tpu.memref_slice %arg4[%multiple_of3A_79, %dma_start3A_87] : memref<204800x32xf32, #tpu.memory_space<hbm>> -> memref<128x32xf32, #tpu.memory_space<hbm>>
      %dma_start3A_89 = arith.constant 0 : i32
      %dma_start3A_90 = arith.constant 0 : i32
      %dma_start3A_91 = tpu.memref_slice %arg6[%dma_start3A_80, %dma_start3A_89, %dma_start3A_90] : memref<2x128x32xf32, #tpu.memory_space<vmem>> -> memref<1x128x32xf32, #tpu.memory_space<vmem>>
      %dma_start3A_92 = tpu.memref_squeeze %dma_start3A_91 : memref<1x128x32xf32, #tpu.memory_space<vmem>> -> memref<128x32xf32, #tpu.memory_space<vmem>>
      tpu.enqueue_dma source(%dma_start3A_92 : memref<128x32xf32, #tpu.memory_space<vmem>>) target(%dma_start3A_88 : memref<128x32xf32, #tpu.memory_space<hbm>>) target_semaphore(%arg9 : memref<!tpu.dma_semaphore, #tpu.memory_space<semaphore_mem>>)
      %mul3A_93 = arith.constant 128 : i32
      %mul3A_94 = arith.muli %add3A_63, %mul3A_93 : i32
      %multiple_of3A_95 = tpu.assume_multiple %mul3A_94, 128 : i32
      %dma_wait3A_96 = arith.constant 1 : i32
      %dma_wait3A_97 = arith.constant 0 : i32
      %dma_wait3A_98 = arith.constant 0 : i32
      %dma_wait3A_99 = tpu.memref_slice %arg6[%dma_wait3A_96, %dma_wait3A_97, %dma_wait3A_98] : memref<2x128x32xf32, #tpu.memory_space<vmem>> -> memref<1x128x32xf32, #tpu.memory_space<vmem>>
      %dma_wait3A_100 = tpu.memref_squeeze %dma_wait3A_99 : memref<1x128x32xf32, #tpu.memory_space<vmem>> -> memref<128x32xf32, #tpu.memory_space<vmem>>
      %dma_wait3A_101 = tpu.memref_slice %arg5[%multiple_of3A_95] : memref<6400xi32, #tpu.memory_space<vmem>> -> memref<128xi32, #tpu.memory_space<vmem>>
      %dma_wait3A_102 = arith.constant 0 : i32
      %dma_wait3A_103 = arith.constant 0 : i32
      %dma_wait3A_104 = tpu.memref_slice %arg3[%dma_wait3A_102, %dma_wait3A_103] : memref<1000000x32xf32, #tpu.memory_space<hbm>> -> memref<1000000x32xf32, #tpu.memory_space<hbm>>
      tpu.wait_indirect_dma semaphore(%arg8 : memref<!tpu.dma_semaphore, #tpu.memory_space<semaphore_mem>>) src(%dma_wait3A_104 : memref<1000000x32xf32, #tpu.memory_space<hbm>>) dst(%dma_wait3A_100 : memref<128x32xf32, #tpu.memory_space<vmem>>)
      %mul3A_105 = arith.constant 128 : i32
      %mul3A_106 = arith.muli %add3A_63, %mul3A_105 : i32
      %add3A_107 = arith.addi %mul3A_2, %mul3A_106 : i32
      %multiple_of3A_108 = tpu.assume_multiple %add3A_107, 128 : i32
      %dma_start3A_109 = arith.constant 1 : i32
      %dma_start3A_110 = arith.constant 0 : i32
      %dma_start3A_111 = arith.constant 0 : i32
      %dma_start3A_112 = tpu.memref_slice %arg6[%dma_start3A_109, %dma_start3A_110, %dma_start3A_111] : memref<2x128x32xf32, #tpu.memory_space<vmem>> -> memref<1x128x32xf32, #tpu.memory_space<vmem>>
      %dma_start3A_113 = tpu.memref_squeeze %dma_start3A_112 : memref<1x128x32xf32, #tpu.memory_space<vmem>> -> memref<128x32xf32, #tpu.memory_space<vmem>>
      %dma_start3A_114 = arith.constant 0 : i32
      %dma_start3A_115 = tpu.memref_slice %arg4[%multiple_of3A_108, %dma_start3A_114] : memref<204800x32xf32, #tpu.memory_space<hbm>> -> memref<128x32xf32, #tpu.memory_space<hbm>>
      %dma_start3A_116 = arith.constant 0 : i32
      %dma_start3A_117 = tpu.memref_slice %arg4[%multiple_of3A_108, %dma_start3A_116] : memref<204800x32xf32, #tpu.memory_space<hbm>> -> memref<128x32xf32, #tpu.memory_space<hbm>>
      %dma_start3A_118 = arith.constant 0 : i32
      %dma_start3A_119 = arith.constant 0 : i32
      %dma_start3A_120 = tpu.memref_slice %arg6[%dma_start3A_109, %dma_start3A_118, %dma_start3A_119] : memref<2x128x32xf32, #tpu.memory_space<vmem>> -> memref<1x128x32xf32, #tpu.memory_space<vmem>>
      %dma_start3A_121 = tpu.memref_squeeze %dma_start3A_120 : memref<1x128x32xf32, #tpu.memory_space<vmem>> -> memref<128x32xf32, #tpu.memory_space<vmem>>
      tpu.enqueue_dma source(%dma_start3A_121 : memref<128x32xf32, #tpu.memory_space<vmem>>) target(%dma_start3A_117 : memref<128x32xf32, #tpu.memory_space<hbm>>) target_semaphore(%arg10 : memref<!tpu.dma_semaphore, #tpu.memory_space<semaphore_mem>>)
      %lt3A = arith.constant 24 : i32
      %lt3A_122 = arith.cmpi slt, %scan3A_59, %lt3A : i32
      %convert_element_type3A = arith.extui %lt3A_122 : i1 to i32
      %cond3A = arith.constant 0 : i32
      %cond3A_123 = arith.cmpi ne, %convert_element_type3A, %cond3A : i32
      scf.if %cond3A_123 {
        %mul3A_124 = arith.constant 128 : i32
        %mul3A_125 = arith.muli %mul3A_61, %mul3A_124 : i32
        %add3A_126 = arith.addi %mul3A_2, %mul3A_125 : i32
        %multiple_of3A_127 = tpu.assume_multiple %add3A_126, 128 : i32
        %dma_wait3A_128 = arith.constant 0 : i32
        %dma_wait3A_129 = arith.constant 0 : i32
        %dma_wait3A_130 = arith.constant 0 : i32
        %dma_wait3A_131 = tpu.memref_slice %arg6[%dma_wait3A_128, %dma_wait3A_129, %dma_wait3A_130] : memref<2x128x32xf32, #tpu.memory_space<vmem>> -> memref<1x128x32xf32, #tpu.memory_space<vmem>>
        %dma_wait3A_132 = tpu.memref_squeeze %dma_wait3A_131 : memref<1x128x32xf32, #tpu.memory_space<vmem>> -> memref<128x32xf32, #tpu.memory_space<vmem>>
        %dma_wait3A_133 = arith.constant 0 : i32
        %dma_wait3A_134 = tpu.memref_slice %arg4[%multiple_of3A_127, %dma_wait3A_133] : memref<204800x32xf32, #tpu.memory_space<hbm>> -> memref<128x32xf32, #tpu.memory_space<hbm>>
        %dma_wait3A_135 = arith.constant 0 : i32
        %dma_wait3A_136 = tpu.memref_slice %arg4[%multiple_of3A_127, %dma_wait3A_135] : memref<204800x32xf32, #tpu.memory_space<hbm>> -> memref<128x32xf32, #tpu.memory_space<hbm>>
        %dma_wait3A_137 = arith.constant 0 : i32
        %dma_wait3A_138 = arith.constant 0 : i32
        %dma_wait3A_139 = tpu.memref_slice %arg6[%dma_wait3A_128, %dma_wait3A_137, %dma_wait3A_138] : memref<2x128x32xf32, #tpu.memory_space<vmem>> -> memref<1x128x32xf32, #tpu.memory_space<vmem>>
        %dma_wait3A_140 = tpu.memref_squeeze %dma_wait3A_139 : memref<1x128x32xf32, #tpu.memory_space<vmem>> -> memref<128x32xf32, #tpu.memory_space<vmem>>
        tpu.wait_dma2 semaphore(%arg9 : memref<!tpu.dma_semaphore, #tpu.memory_space<semaphore_mem>>) src(%dma_wait3A_140 : memref<128x32xf32, #tpu.memory_space<vmem>>) dst(%dma_wait3A_136 : memref<128x32xf32, #tpu.memory_space<hbm>>)
        %add3A_141 = arith.constant 2 : i32
        %add3A_142 = arith.addi %mul3A_61, %add3A_141 : i32
        %mul3A_143 = arith.constant 128 : i32
        %mul3A_144 = arith.muli %add3A_142, %mul3A_143 : i32
        %multiple_of3A_145 = tpu.assume_multiple %mul3A_144, 128 : i32
        %dma_start3A_146 = arith.constant 0 : i32
        %dma_start3A_147 = arith.constant 0 : i32
        %dma_start3A_148 = arith.constant 0 : i32
        %dma_start3A_149 = tpu.memref_slice %arg6[%dma_start3A_146, %dma_start3A_147, %dma_start3A_148] : memref<2x128x32xf32, #tpu.memory_space<vmem>> -> memref<1x128x32xf32, #tpu.memory_space<vmem>>
        %dma_start3A_150 = tpu.memref_squeeze %dma_start3A_149 : memref<1x128x32xf32, #tpu.memory_space<vmem>> -> memref<128x32xf32, #tpu.memory_space<vmem>>
        %dma_start3A_151 = tpu.memref_slice %arg5[%multiple_of3A_145] : memref<6400xi32, #tpu.memory_space<vmem>> -> memref<128xi32, #tpu.memory_space<vmem>>
        %dma_start3A_152 = arith.constant 0 : i32
        %dma_start3A_153 = arith.constant 0 : i32
        %dma_start3A_154 = tpu.memref_slice %arg3[%dma_start3A_152, %dma_start3A_153] : memref<1000000x32xf32, #tpu.memory_space<hbm>> -> memref<1000000x32xf32, #tpu.memory_space<hbm>>
        tpu.enqueue_indirect_dma source(%dma_start3A_154 : memref<1000000x32xf32, #tpu.memory_space<hbm>>) target(%dma_start3A_150 : memref<128x32xf32, #tpu.memory_space<vmem>>) offsets(%dma_start3A_151 : memref<128xi32, #tpu.memory_space<vmem>>) semaphore(%arg7 : memref<!tpu.dma_semaphore, #tpu.memory_space<semaphore_mem>>)
        %mul3A_155 = arith.constant 128 : i32
        %mul3A_156 = arith.muli %add3A_63, %mul3A_155 : i32
        %add3A_157 = arith.addi %mul3A_2, %mul3A_156 : i32
        %multiple_of3A_158 = tpu.assume_multiple %add3A_157, 128 : i32
        %dma_wait3A_159 = arith.constant 1 : i32
        %dma_wait3A_160 = arith.constant 0 : i32
        %dma_wait3A_161 = arith.constant 0 : i32
        %dma_wait3A_162 = tpu.memref_slice %arg6[%dma_wait3A_159, %dma_wait3A_160, %dma_wait3A_161] : memref<2x128x32xf32, #tpu.memory_space<vmem>> -> memref<1x128x32xf32, #tpu.memory_space<vmem>>
        %dma_wait3A_163 = tpu.memref_squeeze %dma_wait3A_162 : memref<1x128x32xf32, #tpu.memory_space<vmem>> -> memref<128x32xf32, #tpu.memory_space<vmem>>
        %dma_wait3A_164 = arith.constant 0 : i32
        %dma_wait3A_165 = tpu.memref_slice %arg4[%multiple_of3A_158, %dma_wait3A_164] : memref<204800x32xf32, #tpu.memory_space<hbm>> -> memref<128x32xf32, #tpu.memory_space<hbm>>
        %dma_wait3A_166 = arith.constant 0 : i32
        %dma_wait3A_167 = tpu.memref_slice %arg4[%multiple_of3A_158, %dma_wait3A_166] : memref<204800x32xf32, #tpu.memory_space<hbm>> -> memref<128x32xf32, #tpu.memory_space<hbm>>
        %dma_wait3A_168 = arith.constant 0 : i32
        %dma_wait3A_169 = arith.constant 0 : i32
        %dma_wait3A_170 = tpu.memref_slice %arg6[%dma_wait3A_159, %dma_wait3A_168, %dma_wait3A_169] : memref<2x128x32xf32, #tpu.memory_space<vmem>> -> memref<1x128x32xf32, #tpu.memory_space<vmem>>
        %dma_wait3A_171 = tpu.memref_squeeze %dma_wait3A_170 : memref<1x128x32xf32, #tpu.memory_space<vmem>> -> memref<128x32xf32, #tpu.memory_space<vmem>>
        tpu.wait_dma2 semaphore(%arg10 : memref<!tpu.dma_semaphore, #tpu.memory_space<semaphore_mem>>) src(%dma_wait3A_171 : memref<128x32xf32, #tpu.memory_space<vmem>>) dst(%dma_wait3A_167 : memref<128x32xf32, #tpu.memory_space<hbm>>)
        %add3A_172 = arith.constant 2 : i32
        %add3A_173 = arith.addi %add3A_63, %add3A_172 : i32
        %mul3A_174 = arith.constant 128 : i32
        %mul3A_175 = arith.muli %add3A_173, %mul3A_174 : i32
        %multiple_of3A_176 = tpu.assume_multiple %mul3A_175, 128 : i32
        %dma_start3A_177 = arith.constant 1 : i32
        %dma_start3A_178 = arith.constant 0 : i32
        %dma_start3A_179 = arith.constant 0 : i32
        %dma_start3A_180 = tpu.memref_slice %arg6[%dma_start3A_177, %dma_start3A_178, %dma_start3A_179] : memref<2x128x32xf32, #tpu.memory_space<vmem>> -> memref<1x128x32xf32, #tpu.memory_space<vmem>>
        %dma_start3A_181 = tpu.memref_squeeze %dma_start3A_180 : memref<1x128x32xf32, #tpu.memory_space<vmem>> -> memref<128x32xf32, #tpu.memory_space<vmem>>
        %dma_start3A_182 = tpu.memref_slice %arg5[%multiple_of3A_176] : memref<6400xi32, #tpu.memory_space<vmem>> -> memref<128xi32, #tpu.memory_space<vmem>>
        %dma_start3A_183 = arith.constant 0 : i32
        %dma_start3A_184 = arith.constant 0 : i32
        %dma_start3A_185 = tpu.memref_slice %arg3[%dma_start3A_183, %dma_start3A_184] : memref<1000000x32xf32, #tpu.memory_space<hbm>> -> memref<1000000x32xf32, #tpu.memory_space<hbm>>
        tpu.enqueue_indirect_dma source(%dma_start3A_185 : memref<1000000x32xf32, #tpu.memory_space<hbm>>) target(%dma_start3A_181 : memref<128x32xf32, #tpu.memory_space<vmem>>) offsets(%dma_start3A_182 : memref<128xi32, #tpu.memory_space<vmem>>) semaphore(%arg8 : memref<!tpu.dma_semaphore, #tpu.memory_space<semaphore_mem>>)
      } else {
      }
    }
    %scan3A_27 = arith.constant 25 : i32
    %add3A_28 = arith.constant 6144 : i32
    %add3A_29 = arith.addi %mul3A_2, %add3A_28 : i32
    %multiple_of3A_30 = tpu.assume_multiple %add3A_29, 128 : i32
    %dma_wait3A = arith.constant 0 : i32
    %dma_wait3A_31 = arith.constant 0 : i32
    %dma_wait3A_32 = arith.constant 0 : i32
    %dma_wait3A_33 = tpu.memref_slice %arg6[%dma_wait3A, %dma_wait3A_31, %dma_wait3A_32] : memref<2x128x32xf32, #tpu.memory_space<vmem>> -> memref<1x128x32xf32, #tpu.memory_space<vmem>>
    %dma_wait3A_34 = tpu.memref_squeeze %dma_wait3A_33 : memref<1x128x32xf32, #tpu.memory_space<vmem>> -> memref<128x32xf32, #tpu.memory_space<vmem>>
    %dma_wait3A_35 = arith.constant 0 : i32
    %dma_wait3A_36 = tpu.memref_slice %arg4[%multiple_of3A_30, %dma_wait3A_35] : memref<204800x32xf32, #tpu.memory_space<hbm>> -> memref<128x32xf32, #tpu.memory_space<hbm>>
    %dma_wait3A_37 = arith.constant 0 : i32
    %dma_wait3A_38 = tpu.memref_slice %arg4[%multiple_of3A_30, %dma_wait3A_37] : memref<204800x32xf32, #tpu.memory_space<hbm>> -> memref<128x32xf32, #tpu.memory_space<hbm>>
    %dma_wait3A_39 = arith.constant 0 : i32
    %dma_wait3A_40 = arith.constant 0 : i32
    %dma_wait3A_41 = tpu.memref_slice %arg6[%dma_wait3A, %dma_wait3A_39, %dma_wait3A_40] : memref<2x128x32xf32, #tpu.memory_space<vmem>> -> memref<1x128x32xf32, #tpu.memory_space<vmem>>
    %dma_wait3A_42 = tpu.memref_squeeze %dma_wait3A_41 : memref<1x128x32xf32, #tpu.memory_space<vmem>> -> memref<128x32xf32, #tpu.memory_space<vmem>>
    tpu.wait_dma2 semaphore(%arg9 : memref<!tpu.dma_semaphore, #tpu.memory_space<semaphore_mem>>) src(%dma_wait3A_42 : memref<128x32xf32, #tpu.memory_space<vmem>>) dst(%dma_wait3A_38 : memref<128x32xf32, #tpu.memory_space<hbm>>)
    %add3A_43 = arith.constant 6272 : i32
    %add3A_44 = arith.addi %mul3A_2, %add3A_43 : i32
    %multiple_of3A_45 = tpu.assume_multiple %add3A_44, 128 : i32
    %dma_wait3A_46 = arith.constant 1 : i32
    %dma_wait3A_47 = arith.constant 0 : i32
    %dma_wait3A_48 = arith.constant 0 : i32
    %dma_wait3A_49 = tpu.memref_slice %arg6[%dma_wait3A_46, %dma_wait3A_47, %dma_wait3A_48] : memref<2x128x32xf32, #tpu.memory_space<vmem>> -> memref<1x128x32xf32, #tpu.memory_space<vmem>>
    %dma_wait3A_50 = tpu.memref_squeeze %dma_wait3A_49 : memref<1x128x32xf32, #tpu.memory_space<vmem>> -> memref<128x32xf32, #tpu.memory_space<vmem>>
    %dma_wait3A_51 = arith.constant 0 : i32
    %dma_wait3A_52 = tpu.memref_slice %arg4[%multiple_of3A_45, %dma_wait3A_51] : memref<204800x32xf32, #tpu.memory_space<hbm>> -> memref<128x32xf32, #tpu.memory_space<hbm>>
    %dma_wait3A_53 = arith.constant 0 : i32
    %dma_wait3A_54 = tpu.memref_slice %arg4[%multiple_of3A_45, %dma_wait3A_53] : memref<204800x32xf32, #tpu.memory_space<hbm>> -> memref<128x32xf32, #tpu.memory_space<hbm>>
    %dma_wait3A_55 = arith.constant 0 : i32
    %dma_wait3A_56 = arith.constant 0 : i32
    %dma_wait3A_57 = tpu.memref_slice %arg6[%dma_wait3A_46, %dma_wait3A_55, %dma_wait3A_56] : memref<2x128x32xf32, #tpu.memory_space<vmem>> -> memref<1x128x32xf32, #tpu.memory_space<vmem>>
    %dma_wait3A_58 = tpu.memref_squeeze %dma_wait3A_57 : memref<1x128x32xf32, #tpu.memory_space<vmem>> -> memref<128x32xf32, #tpu.memory_space<vmem>>
    tpu.wait_dma2 semaphore(%arg10 : memref<!tpu.dma_semaphore, #tpu.memory_space<semaphore_mem>>) src(%dma_wait3A_58 : memref<128x32xf32, #tpu.memory_space<vmem>>) dst(%dma_wait3A_54 : memref<128x32xf32, #tpu.memory_space<hbm>>)
    return
  }
}

#map = affine_map<(d0, d1) -> (0, 0)>
#map1 = affine_map<(d0, d1) -> (0)>
module attributes {stable_mosaic.version = 14 : i64} {
  func.func @_sc_transpose_body(%arg0: i32, %arg1: i32, %arg2: memref<32x1000000xf32, #tpu.memory_space<hbm>>, %arg3: memref<2048xf32, #tpu.memory_space<hbm>>, %arg4: memref<32000000xf32, #tpu.memory_space<hbm>>, %arg5: memref<32x128xf32, #tpu.memory_space<vmem>>, %arg6: memref<32x128xf32, #tpu.memory_space<vmem>>, %arg7: memref<4096xf32, #tpu.memory_space<vmem>>, %arg8: memref<4096xf32, #tpu.memory_space<vmem>>, %arg9: memref<!tpu.dma_semaphore, #tpu.memory_space<semaphore_mem>>, %arg10: memref<!tpu.dma_semaphore, #tpu.memory_space<semaphore_mem>>, %arg11: memref<!tpu.dma_semaphore, #tpu.memory_space<semaphore_mem>>, %arg12: memref<!tpu.dma_semaphore, #tpu.memory_space<semaphore_mem>>) attributes {dimension_semantics = [#tpu.dimension_semantics<core_parallel>, #tpu.dimension_semantics<subcore_parallel>], iteration_bounds = array<i64: 2, 16>, scalar_prefetch = 0 : i64, scratch_operands = 8 : i64, tpu.core_type = #tpu.core_type<sc_vector_subcore>, window_params = [{transform_indices = #map}, {transform_indices = #map1}, {transform_indices = #map1}]} {
    %mul3A = arith.constant 2 : i32
    %mul3A_0 = arith.muli %arg1, %mul3A : i32
    %add3A = arith.addi %mul3A_0, %arg0 : i32
    %iota3A = tpu.iota {dimensions = array<i32: 0>} : vector<16xi32>
    %mul3A_1 = arith.constant 32 : i32
    %mul3A_2 = vector.broadcast %mul3A_1 : i32 to vector<16xi32>
    %mul3A_3 = arith.muli %iota3A, %mul3A_2 : vector<16xi32>
    %add3A_4 = arith.constant 0 : i32
    %add3A_5 = arith.addi %add3A, %add3A_4 : i32
    %mul3A_6 = arith.constant 128 : i32
    %mul3A_7 = arith.muli %add3A_5, %mul3A_6 : i32
    %multiple_of3A = tpu.assume_multiple %mul3A_7, 128 : i32
    %dma_start3A = arith.constant 0 : i32
    %dma_start3A_8 = arith.constant 0 : i32
    %dma_start3A_9 = tpu.memref_slice %arg5[%dma_start3A, %dma_start3A_8] : memref<32x128xf32, #tpu.memory_space<vmem>> -> memref<8x128xf32, #tpu.memory_space<vmem>>
    %dma_start3A_10 = arith.constant 0 : i32
    %dma_start3A_11 = tpu.memref_slice %arg2[%dma_start3A_10, %multiple_of3A] : memref<32x1000000xf32, #tpu.memory_space<hbm>> -> memref<8x128xf32, #tpu.memory_space<hbm>>
    %dma_start3A_12 = arith.constant 0 : i32
    %dma_start3A_13 = arith.constant 0 : i32
    %dma_start3A_14 = tpu.memref_slice %arg5[%dma_start3A_12, %dma_start3A_13] : memref<32x128xf32, #tpu.memory_space<vmem>> -> memref<8x128xf32, #tpu.memory_space<vmem>>
    %dma_start3A_15 = arith.constant 0 : i32
    %dma_start3A_16 = tpu.memref_slice %arg2[%dma_start3A_15, %multiple_of3A] : memref<32x1000000xf32, #tpu.memory_space<hbm>> -> memref<8x128xf32, #tpu.memory_space<hbm>>
    tpu.enqueue_dma source(%dma_start3A_16 : memref<8x128xf32, #tpu.memory_space<hbm>>) target(%dma_start3A_14 : memref<8x128xf32, #tpu.memory_space<vmem>>) target_semaphore(%arg9 : memref<!tpu.dma_semaphore, #tpu.memory_space<semaphore_mem>>)
    %dma_start3A_17 = arith.constant 8 : i32
    %dma_start3A_18 = arith.constant 0 : i32
    %dma_start3A_19 = tpu.memref_slice %arg5[%dma_start3A_17, %dma_start3A_18] : memref<32x128xf32, #tpu.memory_space<vmem>> -> memref<8x128xf32, #tpu.memory_space<vmem>>
    %dma_start3A_20 = arith.constant 8 : i32
    %dma_start3A_21 = tpu.memref_slice %arg2[%dma_start3A_20, %multiple_of3A] : memref<32x1000000xf32, #tpu.memory_space<hbm>> -> memref<8x128xf32, #tpu.memory_space<hbm>>
    %dma_start3A_22 = arith.constant 8 : i32
    %dma_start3A_23 = arith.constant 0 : i32
    %dma_start3A_24 = tpu.memref_slice %arg5[%dma_start3A_22, %dma_start3A_23] : memref<32x128xf32, #tpu.memory_space<vmem>> -> memref<8x128xf32, #tpu.memory_space<vmem>>
    %dma_start3A_25 = arith.constant 8 : i32
    %dma_start3A_26 = tpu.memref_slice %arg2[%dma_start3A_25, %multiple_of3A] : memref<32x1000000xf32, #tpu.memory_space<hbm>> -> memref<8x128xf32, #tpu.memory_space<hbm>>
    tpu.enqueue_dma source(%dma_start3A_26 : memref<8x128xf32, #tpu.memory_space<hbm>>) target(%dma_start3A_24 : memref<8x128xf32, #tpu.memory_space<vmem>>) target_semaphore(%arg9 : memref<!tpu.dma_semaphore, #tpu.memory_space<semaphore_mem>>)
    %dma_start3A_27 = arith.constant 16 : i32
    %dma_start3A_28 = arith.constant 0 : i32
    %dma_start3A_29 = tpu.memref_slice %arg5[%dma_start3A_27, %dma_start3A_28] : memref<32x128xf32, #tpu.memory_space<vmem>> -> memref<8x128xf32, #tpu.memory_space<vmem>>
    %dma_start3A_30 = arith.constant 16 : i32
    %dma_start3A_31 = tpu.memref_slice %arg2[%dma_start3A_30, %multiple_of3A] : memref<32x1000000xf32, #tpu.memory_space<hbm>> -> memref<8x128xf32, #tpu.memory_space<hbm>>
    %dma_start3A_32 = arith.constant 16 : i32
    %dma_start3A_33 = arith.constant 0 : i32
    %dma_start3A_34 = tpu.memref_slice %arg5[%dma_start3A_32, %dma_start3A_33] : memref<32x128xf32, #tpu.memory_space<vmem>> -> memref<8x128xf32, #tpu.memory_space<vmem>>
    %dma_start3A_35 = arith.constant 16 : i32
    %dma_start3A_36 = tpu.memref_slice %arg2[%dma_start3A_35, %multiple_of3A] : memref<32x1000000xf32, #tpu.memory_space<hbm>> -> memref<8x128xf32, #tpu.memory_space<hbm>>
    tpu.enqueue_dma source(%dma_start3A_36 : memref<8x128xf32, #tpu.memory_space<hbm>>) target(%dma_start3A_34 : memref<8x128xf32, #tpu.memory_space<vmem>>) target_semaphore(%arg9 : memref<!tpu.dma_semaphore, #tpu.memory_space<semaphore_mem>>)
    %dma_start3A_37 = arith.constant 24 : i32
    %dma_start3A_38 = arith.constant 0 : i32
    %dma_start3A_39 = tpu.memref_slice %arg5[%dma_start3A_37, %dma_start3A_38] : memref<32x128xf32, #tpu.memory_space<vmem>> -> memref<8x128xf32, #tpu.memory_space<vmem>>
    %dma_start3A_40 = arith.constant 24 : i32
    %dma_start3A_41 = tpu.memref_slice %arg2[%dma_start3A_40, %multiple_of3A] : memref<32x1000000xf32, #tpu.memory_space<hbm>> -> memref<8x128xf32, #tpu.memory_space<hbm>>
    %dma_start3A_42 = arith.constant 24 : i32
    %dma_start3A_43 = arith.constant 0 : i32
    %dma_start3A_44 = tpu.memref_slice %arg5[%dma_start3A_42, %dma_start3A_43] : memref<32x128xf32, #tpu.memory_space<vmem>> -> memref<8x128xf32, #tpu.memory_space<vmem>>
    %dma_start3A_45 = arith.constant 24 : i32
    %dma_start3A_46 = tpu.memref_slice %arg2[%dma_start3A_45, %multiple_of3A] : memref<32x1000000xf32, #tpu.memory_space<hbm>> -> memref<8x128xf32, #tpu.memory_space<hbm>>
    tpu.enqueue_dma source(%dma_start3A_46 : memref<8x128xf32, #tpu.memory_space<hbm>>) target(%dma_start3A_44 : memref<8x128xf32, #tpu.memory_space<vmem>>) target_semaphore(%arg9 : memref<!tpu.dma_semaphore, #tpu.memory_space<semaphore_mem>>)
    %add3A_47 = arith.constant 32 : i32
    %add3A_48 = arith.addi %add3A, %add3A_47 : i32
    %mul3A_49 = arith.constant 128 : i32
    %mul3A_50 = arith.muli %add3A_48, %mul3A_49 : i32
    %multiple_of3A_51 = tpu.assume_multiple %mul3A_50, 128 : i32
    %dma_start3A_52 = arith.constant 0 : i32
    %dma_start3A_53 = arith.constant 0 : i32
    %dma_start3A_54 = tpu.memref_slice %arg6[%dma_start3A_52, %dma_start3A_53] : memref<32x128xf32, #tpu.memory_space<vmem>> -> memref<8x128xf32, #tpu.memory_space<vmem>>
    %dma_start3A_55 = arith.constant 0 : i32
    %dma_start3A_56 = tpu.memref_slice %arg2[%dma_start3A_55, %multiple_of3A_51] : memref<32x1000000xf32, #tpu.memory_space<hbm>> -> memref<8x128xf32, #tpu.memory_space<hbm>>
    %dma_start3A_57 = arith.constant 0 : i32
    %dma_start3A_58 = arith.constant 0 : i32
    %dma_start3A_59 = tpu.memref_slice %arg6[%dma_start3A_57, %dma_start3A_58] : memref<32x128xf32, #tpu.memory_space<vmem>> -> memref<8x128xf32, #tpu.memory_space<vmem>>
    %dma_start3A_60 = arith.constant 0 : i32
    %dma_start3A_61 = tpu.memref_slice %arg2[%dma_start3A_60, %multiple_of3A_51] : memref<32x1000000xf32, #tpu.memory_space<hbm>> -> memref<8x128xf32, #tpu.memory_space<hbm>>
    tpu.enqueue_dma source(%dma_start3A_61 : memref<8x128xf32, #tpu.memory_space<hbm>>) target(%dma_start3A_59 : memref<8x128xf32, #tpu.memory_space<vmem>>) target_semaphore(%arg10 : memref<!tpu.dma_semaphore, #tpu.memory_space<semaphore_mem>>)
    %dma_start3A_62 = arith.constant 8 : i32
    %dma_start3A_63 = arith.constant 0 : i32
    %dma_start3A_64 = tpu.memref_slice %arg6[%dma_start3A_62, %dma_start3A_63] : memref<32x128xf32, #tpu.memory_space<vmem>> -> memref<8x128xf32, #tpu.memory_space<vmem>>
    %dma_start3A_65 = arith.constant 8 : i32
    %dma_start3A_66 = tpu.memref_slice %arg2[%dma_start3A_65, %multiple_of3A_51] : memref<32x1000000xf32, #tpu.memory_space<hbm>> -> memref<8x128xf32, #tpu.memory_space<hbm>>
    %dma_start3A_67 = arith.constant 8 : i32
    %dma_start3A_68 = arith.constant 0 : i32
    %dma_start3A_69 = tpu.memref_slice %arg6[%dma_start3A_67, %dma_start3A_68] : memref<32x128xf32, #tpu.memory_space<vmem>> -> memref<8x128xf32, #tpu.memory_space<vmem>>
    %dma_start3A_70 = arith.constant 8 : i32
    %dma_start3A_71 = tpu.memref_slice %arg2[%dma_start3A_70, %multiple_of3A_51] : memref<32x1000000xf32, #tpu.memory_space<hbm>> -> memref<8x128xf32, #tpu.memory_space<hbm>>
    tpu.enqueue_dma source(%dma_start3A_71 : memref<8x128xf32, #tpu.memory_space<hbm>>) target(%dma_start3A_69 : memref<8x128xf32, #tpu.memory_space<vmem>>) target_semaphore(%arg10 : memref<!tpu.dma_semaphore, #tpu.memory_space<semaphore_mem>>)
    %dma_start3A_72 = arith.constant 16 : i32
    %dma_start3A_73 = arith.constant 0 : i32
    %dma_start3A_74 = tpu.memref_slice %arg6[%dma_start3A_72, %dma_start3A_73] : memref<32x128xf32, #tpu.memory_space<vmem>> -> memref<8x128xf32, #tpu.memory_space<vmem>>
    %dma_start3A_75 = arith.constant 16 : i32
    %dma_start3A_76 = tpu.memref_slice %arg2[%dma_start3A_75, %multiple_of3A_51] : memref<32x1000000xf32, #tpu.memory_space<hbm>> -> memref<8x128xf32, #tpu.memory_space<hbm>>
    %dma_start3A_77 = arith.constant 16 : i32
    %dma_start3A_78 = arith.constant 0 : i32
    %dma_start3A_79 = tpu.memref_slice %arg6[%dma_start3A_77, %dma_start3A_78] : memref<32x128xf32, #tpu.memory_space<vmem>> -> memref<8x128xf32, #tpu.memory_space<vmem>>
    %dma_start3A_80 = arith.constant 16 : i32
    %dma_start3A_81 = tpu.memref_slice %arg2[%dma_start3A_80, %multiple_of3A_51] : memref<32x1000000xf32, #tpu.memory_space<hbm>> -> memref<8x128xf32, #tpu.memory_space<hbm>>
    tpu.enqueue_dma source(%dma_start3A_81 : memref<8x128xf32, #tpu.memory_space<hbm>>) target(%dma_start3A_79 : memref<8x128xf32, #tpu.memory_space<vmem>>) target_semaphore(%arg10 : memref<!tpu.dma_semaphore, #tpu.memory_space<semaphore_mem>>)
    %dma_start3A_82 = arith.constant 24 : i32
    %dma_start3A_83 = arith.constant 0 : i32
    %dma_start3A_84 = tpu.memref_slice %arg6[%dma_start3A_82, %dma_start3A_83] : memref<32x128xf32, #tpu.memory_space<vmem>> -> memref<8x128xf32, #tpu.memory_space<vmem>>
    %dma_start3A_85 = arith.constant 24 : i32
    %dma_start3A_86 = tpu.memref_slice %arg2[%dma_start3A_85, %multiple_of3A_51] : memref<32x1000000xf32, #tpu.memory_space<hbm>> -> memref<8x128xf32, #tpu.memory_space<hbm>>
    %dma_start3A_87 = arith.constant 24 : i32
    %dma_start3A_88 = arith.constant 0 : i32
    %dma_start3A_89 = tpu.memref_slice %arg6[%dma_start3A_87, %dma_start3A_88] : memref<32x128xf32, #tpu.memory_space<vmem>> -> memref<8x128xf32, #tpu.memory_space<vmem>>
    %dma_start3A_90 = arith.constant 24 : i32
    %dma_start3A_91 = tpu.memref_slice %arg2[%dma_start3A_90, %multiple_of3A_51] : memref<32x1000000xf32, #tpu.memory_space<hbm>> -> memref<8x128xf32, #tpu.memory_space<hbm>>
    tpu.enqueue_dma source(%dma_start3A_91 : memref<8x128xf32, #tpu.memory_space<hbm>>) target(%dma_start3A_89 : memref<8x128xf32, #tpu.memory_space<vmem>>) target_semaphore(%arg10 : memref<!tpu.dma_semaphore, #tpu.memory_space<semaphore_mem>>)
    %scan3A = arith.constant 0 : i32
    %scan3A_92 = arith.constant 0 : i32
    %scan3A_93 = arith.constant 122 : i32
    %scan3A_94 = arith.addi %scan3A_92, %scan3A_93 : i32
    %scan3A_95 = arith.constant 1 : i32
    scf.for %scan3A_116 = %scan3A_92 to %scan3A_94 step %scan3A_95  : i32 {
      %mul3A_117 = arith.constant 2 : i32
      %mul3A_118 = arith.muli %scan3A_116, %mul3A_117 : i32
      %mul3A_119 = arith.constant 32 : i32
      %mul3A_120 = arith.muli %mul3A_119, %mul3A_118 : i32
      %add3A_121 = arith.addi %add3A, %mul3A_120 : i32
      %mul3A_122 = arith.constant 128 : i32
      %mul3A_123 = arith.muli %add3A_121, %mul3A_122 : i32
      %multiple_of3A_124 = tpu.assume_multiple %mul3A_123, 128 : i32
      %dma_wait3A_125 = arith.constant 0 : i32
      %dma_wait3A_126 = arith.constant 0 : i32
      %dma_wait3A_127 = tpu.memref_slice %arg5[%dma_wait3A_125, %dma_wait3A_126] : memref<32x128xf32, #tpu.memory_space<vmem>> -> memref<8x128xf32, #tpu.memory_space<vmem>>
      %dma_wait3A_128 = arith.constant 0 : i32
      %dma_wait3A_129 = tpu.memref_slice %arg2[%dma_wait3A_128, %multiple_of3A_124] : memref<32x1000000xf32, #tpu.memory_space<hbm>> -> memref<8x128xf32, #tpu.memory_space<hbm>>
      %dma_wait3A_130 = arith.constant 0 : i32
      %dma_wait3A_131 = arith.constant 0 : i32
      %dma_wait3A_132 = tpu.memref_slice %arg5[%dma_wait3A_130, %dma_wait3A_131] : memref<32x128xf32, #tpu.memory_space<vmem>> -> memref<8x128xf32, #tpu.memory_space<vmem>>
      %dma_wait3A_133 = arith.constant 0 : i32
      %dma_wait3A_134 = tpu.memref_slice %arg2[%dma_wait3A_133, %multiple_of3A_124] : memref<32x1000000xf32, #tpu.memory_space<hbm>> -> memref<8x128xf32, #tpu.memory_space<hbm>>
      tpu.wait_dma2 semaphore(%arg9 : memref<!tpu.dma_semaphore, #tpu.memory_space<semaphore_mem>>) src(%dma_wait3A_134 : memref<8x128xf32, #tpu.memory_space<hbm>>) dst(%dma_wait3A_132 : memref<8x128xf32, #tpu.memory_space<vmem>>)
      %dma_wait3A_135 = arith.constant 8 : i32
      %dma_wait3A_136 = arith.constant 0 : i32
      %dma_wait3A_137 = tpu.memref_slice %arg5[%dma_wait3A_135, %dma_wait3A_136] : memref<32x128xf32, #tpu.memory_space<vmem>> -> memref<8x128xf32, #tpu.memory_space<vmem>>
      %dma_wait3A_138 = arith.constant 8 : i32
      %dma_wait3A_139 = tpu.memref_slice %arg2[%dma_wait3A_138, %multiple_of3A_124] : memref<32x1000000xf32, #tpu.memory_space<hbm>> -> memref<8x128xf32, #tpu.memory_space<hbm>>
      %dma_wait3A_140 = arith.constant 8 : i32
      %dma_wait3A_141 = arith.constant 0 : i32
      %dma_wait3A_142 = tpu.memref_slice %arg5[%dma_wait3A_140, %dma_wait3A_141] : memref<32x128xf32, #tpu.memory_space<vmem>> -> memref<8x128xf32, #tpu.memory_space<vmem>>
      %dma_wait3A_143 = arith.constant 8 : i32
      %dma_wait3A_144 = tpu.memref_slice %arg2[%dma_wait3A_143, %multiple_of3A_124] : memref<32x1000000xf32, #tpu.memory_space<hbm>> -> memref<8x128xf32, #tpu.memory_space<hbm>>
      tpu.wait_dma2 semaphore(%arg9 : memref<!tpu.dma_semaphore, #tpu.memory_space<semaphore_mem>>) src(%dma_wait3A_144 : memref<8x128xf32, #tpu.memory_space<hbm>>) dst(%dma_wait3A_142 : memref<8x128xf32, #tpu.memory_space<vmem>>)
      %dma_wait3A_145 = arith.constant 16 : i32
      %dma_wait3A_146 = arith.constant 0 : i32
      %dma_wait3A_147 = tpu.memref_slice %arg5[%dma_wait3A_145, %dma_wait3A_146] : memref<32x128xf32, #tpu.memory_space<vmem>> -> memref<8x128xf32, #tpu.memory_space<vmem>>
      %dma_wait3A_148 = arith.constant 16 : i32
      %dma_wait3A_149 = tpu.memref_slice %arg2[%dma_wait3A_148, %multiple_of3A_124] : memref<32x1000000xf32, #tpu.memory_space<hbm>> -> memref<8x128xf32, #tpu.memory_space<hbm>>
      %dma_wait3A_150 = arith.constant 16 : i32
      %dma_wait3A_151 = arith.constant 0 : i32
      %dma_wait3A_152 = tpu.memref_slice %arg5[%dma_wait3A_150, %dma_wait3A_151] : memref<32x128xf32, #tpu.memory_space<vmem>> -> memref<8x128xf32, #tpu.memory_space<vmem>>
      %dma_wait3A_153 = arith.constant 16 : i32
      %dma_wait3A_154 = tpu.memref_slice %arg2[%dma_wait3A_153, %multiple_of3A_124] : memref<32x1000000xf32, #tpu.memory_space<hbm>> -> memref<8x128xf32, #tpu.memory_space<hbm>>
      tpu.wait_dma2 semaphore(%arg9 : memref<!tpu.dma_semaphore, #tpu.memory_space<semaphore_mem>>) src(%dma_wait3A_154 : memref<8x128xf32, #tpu.memory_space<hbm>>) dst(%dma_wait3A_152 : memref<8x128xf32, #tpu.memory_space<vmem>>)
      %dma_wait3A_155 = arith.constant 24 : i32
      %dma_wait3A_156 = arith.constant 0 : i32
      %dma_wait3A_157 = tpu.memref_slice %arg5[%dma_wait3A_155, %dma_wait3A_156] : memref<32x128xf32, #tpu.memory_space<vmem>> -> memref<8x128xf32, #tpu.memory_space<vmem>>
      %dma_wait3A_158 = arith.constant 24 : i32
      %dma_wait3A_159 = tpu.memref_slice %arg2[%dma_wait3A_158, %multiple_of3A_124] : memref<32x1000000xf32, #tpu.memory_space<hbm>> -> memref<8x128xf32, #tpu.memory_space<hbm>>
      %dma_wait3A_160 = arith.constant 24 : i32
      %dma_wait3A_161 = arith.constant 0 : i32
      %dma_wait3A_162 = tpu.memref_slice %arg5[%dma_wait3A_160, %dma_wait3A_161] : memref<32x128xf32, #tpu.memory_space<vmem>> -> memref<8x128xf32, #tpu.memory_space<vmem>>
      %dma_wait3A_163 = arith.constant 24 : i32
      %dma_wait3A_164 = tpu.memref_slice %arg2[%dma_wait3A_163, %multiple_of3A_124] : memref<32x1000000xf32, #tpu.memory_space<hbm>> -> memref<8x128xf32, #tpu.memory_space<hbm>>
      tpu.wait_dma2 semaphore(%arg9 : memref<!tpu.dma_semaphore, #tpu.memory_space<semaphore_mem>>) src(%dma_wait3A_164 : memref<8x128xf32, #tpu.memory_space<hbm>>) dst(%dma_wait3A_162 : memref<8x128xf32, #tpu.memory_space<vmem>>)
      %ge3A = arith.constant 1 : i32
      %ge3A_165 = arith.cmpi sge, %scan3A_116, %ge3A : i32
      %convert_element_type3A_166 = arith.extui %ge3A_165 : i1 to i32
      %cond3A_167 = arith.constant 0 : i32
      %cond3A_168 = arith.cmpi ne, %convert_element_type3A_166, %cond3A_167 : i32
      scf.if %cond3A_168 {
        %sub3A = arith.constant 2 : i32
        %sub3A_259 = arith.subi %mul3A_118, %sub3A : i32
        %mul3A_260 = arith.constant 32 : i32
        %mul3A_261 = arith.muli %mul3A_260, %sub3A_259 : i32
        %add3A_262 = arith.addi %add3A, %mul3A_261 : i32
        %mul3A_263 = arith.constant 4096 : i32
        %mul3A_264 = arith.muli %add3A_262, %mul3A_263 : i32
        %multiple_of3A_265 = tpu.assume_multiple %mul3A_264, 8 : i32
        %dma_wait3A_266 = tpu.memref_slice %arg4[%multiple_of3A_265] : memref<32000000xf32, #tpu.memory_space<hbm>> -> memref<4096xf32, #tpu.memory_space<hbm>>
        %dma_wait3A_267 = tpu.memref_slice %arg4[%multiple_of3A_265] : memref<32000000xf32, #tpu.memory_space<hbm>> -> memref<4096xf32, #tpu.memory_space<hbm>>
        tpu.wait_dma2 semaphore(%arg11 : memref<!tpu.dma_semaphore, #tpu.memory_space<semaphore_mem>>) src(%arg7 : memref<4096xf32, #tpu.memory_space<vmem>>) dst(%dma_wait3A_267 : memref<4096xf32, #tpu.memory_space<hbm>>)
      } else {
      }
      %parallel_loop3A = arith.constant 0 : i32
      %parallel_loop3A_169 = arith.constant 256 : i32
      %parallel_loop3A_170 = arith.constant 1 : i32
      scf.for %parallel_loop3A_259 = %parallel_loop3A to %parallel_loop3A_169 step %parallel_loop3A_170  : i32 {
        %parallel_loop3A_260 = arith.constant 3 : i32
        %parallel_loop3A_261 = arith.shrsi %parallel_loop3A_259, %parallel_loop3A_260 : i32
        %parallel_loop3A_262 = arith.constant 7 : i32
        %parallel_loop3A_263 = arith.andi %parallel_loop3A_259, %parallel_loop3A_262 : i32
        %parallel_loop3A_264 = vector.broadcast %parallel_loop3A_261 : i32 to vector<16xi32>
        %parallel_loop3A_265 = arith.addi %parallel_loop3A_264, %iota3A : vector<16xi32>
        %parallel_loop3A_266 = arith.constant 31 : i32
        %parallel_loop3A_267 = vector.broadcast %parallel_loop3A_266 : i32 to vector<16xi32>
        %parallel_loop3A_268 = arith.andi %parallel_loop3A_265, %parallel_loop3A_267 : vector<16xi32>
        %parallel_loop3A_269 = arith.constant 16 : i32
        %parallel_loop3A_270 = arith.muli %parallel_loop3A_263, %parallel_loop3A_269 : i32
        %parallel_loop3A_271 = vector.broadcast %parallel_loop3A_270 : i32 to vector<16xi32>
        %parallel_loop3A_272 = arith.addi %parallel_loop3A_271, %iota3A : vector<16xi32>
        %parallel_loop3A_273 = tpu.vector_load_idx %arg5[%parallel_loop3A_268, %parallel_loop3A_272] : memref<32x128xf32, #tpu.memory_space<vmem>>[vector<16xi32>, vector<16xi32>], vector<16xf32>,
        %parallel_loop3A_274 = arith.constant 512 : i32
        %parallel_loop3A_275 = arith.muli %parallel_loop3A_263, %parallel_loop3A_274 : i32
        %parallel_loop3A_276 = vector.broadcast %parallel_loop3A_275 : i32 to vector<16xi32>
        %parallel_loop3A_277 = arith.addi %parallel_loop3A_276, %mul3A_3 : vector<16xi32>
        %parallel_loop3A_278 = arith.addi %parallel_loop3A_277, %parallel_loop3A_268 : vector<16xi32>
        tpu.vector_store_idx %arg7[%parallel_loop3A_278], %parallel_loop3A_273 : memref<4096xf32, #tpu.memory_space<vmem>>[vector<16xi32>], vector<16xf32>,
      } {sc.loop_unroll_factor = 8 : i64, sc.parallel_access}
      %mul3A_171 = arith.constant 32 : i32
      %mul3A_172 = arith.muli %mul3A_171, %mul3A_118 : i32
      %add3A_173 = arith.addi %add3A, %mul3A_172 : i32
      %mul3A_174 = arith.constant 4096 : i32
      %mul3A_175 = arith.muli %add3A_173, %mul3A_174 : i32
      %multiple_of3A_176 = tpu.assume_multiple %mul3A_175, 8 : i32
      %dma_start3A_177 = tpu.memref_slice %arg4[%multiple_of3A_176] : memref<32000000xf32, #tpu.memory_space<hbm>> -> memref<4096xf32, #tpu.memory_space<hbm>>
      %dma_start3A_178 = tpu.memref_slice %arg4[%multiple_of3A_176] : memref<32000000xf32, #tpu.memory_space<hbm>> -> memref<4096xf32, #tpu.memory_space<hbm>>
      tpu.enqueue_dma source(%arg7 : memref<4096xf32, #tpu.memory_space<vmem>>) target(%dma_start3A_178 : memref<4096xf32, #tpu.memory_space<hbm>>) target_semaphore(%arg11 : memref<!tpu.dma_semaphore, #tpu.memory_space<semaphore_mem>>)
      %add3A_179 = arith.constant 2 : i32
      %add3A_180 = arith.addi %mul3A_118, %add3A_179 : i32
      %lt3A_181 = arith.constant 244 : i32
      %lt3A_182 = arith.cmpi slt, %add3A_180, %lt3A_181 : i32
      %convert_element_type3A_183 = arith.extui %lt3A_182 : i1 to i32
      %cond3A_184 = arith.constant 0 : i32
      %cond3A_185 = arith.cmpi ne, %convert_element_type3A_183, %cond3A_184 : i32
      scf.if %cond3A_185 {
        %add3A_259 = arith.constant 2 : i32
        %add3A_260 = arith.addi %mul3A_118, %add3A_259 : i32
        %mul3A_261 = arith.constant 32 : i32
        %mul3A_262 = arith.muli %mul3A_261, %add3A_260 : i32
        %add3A_263 = arith.addi %add3A, %mul3A_262 : i32
        %mul3A_264 = arith.constant 128 : i32
        %mul3A_265 = arith.muli %add3A_263, %mul3A_264 : i32
        %multiple_of3A_266 = tpu.assume_multiple %mul3A_265, 128 : i32
        %dma_start3A_267 = arith.constant 0 : i32
        %dma_start3A_268 = arith.constant 0 : i32
        %dma_start3A_269 = tpu.memref_slice %arg5[%dma_start3A_267, %dma_start3A_268] : memref<32x128xf32, #tpu.memory_space<vmem>> -> memref<8x128xf32, #tpu.memory_space<vmem>>
        %dma_start3A_270 = arith.constant 0 : i32
        %dma_start3A_271 = tpu.memref_slice %arg2[%dma_start3A_270, %multiple_of3A_266] : memref<32x1000000xf32, #tpu.memory_space<hbm>> -> memref<8x128xf32, #tpu.memory_space<hbm>>
        %dma_start3A_272 = arith.constant 0 : i32
        %dma_start3A_273 = arith.constant 0 : i32
        %dma_start3A_274 = tpu.memref_slice %arg5[%dma_start3A_272, %dma_start3A_273] : memref<32x128xf32, #tpu.memory_space<vmem>> -> memref<8x128xf32, #tpu.memory_space<vmem>>
        %dma_start3A_275 = arith.constant 0 : i32
        %dma_start3A_276 = tpu.memref_slice %arg2[%dma_start3A_275, %multiple_of3A_266] : memref<32x1000000xf32, #tpu.memory_space<hbm>> -> memref<8x128xf32, #tpu.memory_space<hbm>>
        tpu.enqueue_dma source(%dma_start3A_276 : memref<8x128xf32, #tpu.memory_space<hbm>>) target(%dma_start3A_274 : memref<8x128xf32, #tpu.memory_space<vmem>>) target_semaphore(%arg9 : memref<!tpu.dma_semaphore, #tpu.memory_space<semaphore_mem>>)
        %dma_start3A_277 = arith.constant 8 : i32
        %dma_start3A_278 = arith.constant 0 : i32
        %dma_start3A_279 = tpu.memref_slice %arg5[%dma_start3A_277, %dma_start3A_278] : memref<32x128xf32, #tpu.memory_space<vmem>> -> memref<8x128xf32, #tpu.memory_space<vmem>>
        %dma_start3A_280 = arith.constant 8 : i32
        %dma_start3A_281 = tpu.memref_slice %arg2[%dma_start3A_280, %multiple_of3A_266] : memref<32x1000000xf32, #tpu.memory_space<hbm>> -> memref<8x128xf32, #tpu.memory_space<hbm>>
        %dma_start3A_282 = arith.constant 8 : i32
        %dma_start3A_283 = arith.constant 0 : i32
        %dma_start3A_284 = tpu.memref_slice %arg5[%dma_start3A_282, %dma_start3A_283] : memref<32x128xf32, #tpu.memory_space<vmem>> -> memref<8x128xf32, #tpu.memory_space<vmem>>
        %dma_start3A_285 = arith.constant 8 : i32
        %dma_start3A_286 = tpu.memref_slice %arg2[%dma_start3A_285, %multiple_of3A_266] : memref<32x1000000xf32, #tpu.memory_space<hbm>> -> memref<8x128xf32, #tpu.memory_space<hbm>>
        tpu.enqueue_dma source(%dma_start3A_286 : memref<8x128xf32, #tpu.memory_space<hbm>>) target(%dma_start3A_284 : memref<8x128xf32, #tpu.memory_space<vmem>>) target_semaphore(%arg9 : memref<!tpu.dma_semaphore, #tpu.memory_space<semaphore_mem>>)
        %dma_start3A_287 = arith.constant 16 : i32
        %dma_start3A_288 = arith.constant 0 : i32
        %dma_start3A_289 = tpu.memref_slice %arg5[%dma_start3A_287, %dma_start3A_288] : memref<32x128xf32, #tpu.memory_space<vmem>> -> memref<8x128xf32, #tpu.memory_space<vmem>>
        %dma_start3A_290 = arith.constant 16 : i32
        %dma_start3A_291 = tpu.memref_slice %arg2[%dma_start3A_290, %multiple_of3A_266] : memref<32x1000000xf32, #tpu.memory_space<hbm>> -> memref<8x128xf32, #tpu.memory_space<hbm>>
        %dma_start3A_292 = arith.constant 16 : i32
        %dma_start3A_293 = arith.constant 0 : i32
        %dma_start3A_294 = tpu.memref_slice %arg5[%dma_start3A_292, %dma_start3A_293] : memref<32x128xf32, #tpu.memory_space<vmem>> -> memref<8x128xf32, #tpu.memory_space<vmem>>
        %dma_start3A_295 = arith.constant 16 : i32
        %dma_start3A_296 = tpu.memref_slice %arg2[%dma_start3A_295, %multiple_of3A_266] : memref<32x1000000xf32, #tpu.memory_space<hbm>> -> memref<8x128xf32, #tpu.memory_space<hbm>>
        tpu.enqueue_dma source(%dma_start3A_296 : memref<8x128xf32, #tpu.memory_space<hbm>>) target(%dma_start3A_294 : memref<8x128xf32, #tpu.memory_space<vmem>>) target_semaphore(%arg9 : memref<!tpu.dma_semaphore, #tpu.memory_space<semaphore_mem>>)
        %dma_start3A_297 = arith.constant 24 : i32
        %dma_start3A_298 = arith.constant 0 : i32
        %dma_start3A_299 = tpu.memref_slice %arg5[%dma_start3A_297, %dma_start3A_298] : memref<32x128xf32, #tpu.memory_space<vmem>> -> memref<8x128xf32, #tpu.memory_space<vmem>>
        %dma_start3A_300 = arith.constant 24 : i32
        %dma_start3A_301 = tpu.memref_slice %arg2[%dma_start3A_300, %multiple_of3A_266] : memref<32x1000000xf32, #tpu.memory_space<hbm>> -> memref<8x128xf32, #tpu.memory_space<hbm>>
        %dma_start3A_302 = arith.constant 24 : i32
        %dma_start3A_303 = arith.constant 0 : i32
        %dma_start3A_304 = tpu.memref_slice %arg5[%dma_start3A_302, %dma_start3A_303] : memref<32x128xf32, #tpu.memory_space<vmem>> -> memref<8x128xf32, #tpu.memory_space<vmem>>
        %dma_start3A_305 = arith.constant 24 : i32
        %dma_start3A_306 = tpu.memref_slice %arg2[%dma_start3A_305, %multiple_of3A_266] : memref<32x1000000xf32, #tpu.memory_space<hbm>> -> memref<8x128xf32, #tpu.memory_space<hbm>>
        tpu.enqueue_dma source(%dma_start3A_306 : memref<8x128xf32, #tpu.memory_space<hbm>>) target(%dma_start3A_304 : memref<8x128xf32, #tpu.memory_space<vmem>>) target_semaphore(%arg9 : memref<!tpu.dma_semaphore, #tpu.memory_space<semaphore_mem>>)
      } else {
      }
      %mul3A_186 = arith.constant 2 : i32
      %mul3A_187 = arith.muli %scan3A_116, %mul3A_186 : i32
      %add3A_188 = arith.constant 1 : i32
      %add3A_189 = arith.addi %mul3A_187, %add3A_188 : i32
      %mul3A_190 = arith.constant 32 : i32
      %mul3A_191 = arith.muli %mul3A_190, %add3A_189 : i32
      %add3A_192 = arith.addi %add3A, %mul3A_191 : i32
      %mul3A_193 = arith.constant 128 : i32
      %mul3A_194 = arith.muli %add3A_192, %mul3A_193 : i32
      %multiple_of3A_195 = tpu.assume_multiple %mul3A_194, 128 : i32
      %dma_wait3A_196 = arith.constant 0 : i32
      %dma_wait3A_197 = arith.constant 0 : i32
      %dma_wait3A_198 = tpu.memref_slice %arg6[%dma_wait3A_196, %dma_wait3A_197] : memref<32x128xf32, #tpu.memory_space<vmem>> -> memref<8x128xf32, #tpu.memory_space<vmem>>
      %dma_wait3A_199 = arith.constant 0 : i32
      %dma_wait3A_200 = tpu.memref_slice %arg2[%dma_wait3A_199, %multiple_of3A_195] : memref<32x1000000xf32, #tpu.memory_space<hbm>> -> memref<8x128xf32, #tpu.memory_space<hbm>>
      %dma_wait3A_201 = arith.constant 0 : i32
      %dma_wait3A_202 = arith.constant 0 : i32
      %dma_wait3A_203 = tpu.memref_slice %arg6[%dma_wait3A_201, %dma_wait3A_202] : memref<32x128xf32, #tpu.memory_space<vmem>> -> memref<8x128xf32, #tpu.memory_space<vmem>>
      %dma_wait3A_204 = arith.constant 0 : i32
      %dma_wait3A_205 = tpu.memref_slice %arg2[%dma_wait3A_204, %multiple_of3A_195] : memref<32x1000000xf32, #tpu.memory_space<hbm>> -> memref<8x128xf32, #tpu.memory_space<hbm>>
      tpu.wait_dma2 semaphore(%arg10 : memref<!tpu.dma_semaphore, #tpu.memory_space<semaphore_mem>>) src(%dma_wait3A_205 : memref<8x128xf32, #tpu.memory_space<hbm>>) dst(%dma_wait3A_203 : memref<8x128xf32, #tpu.memory_space<vmem>>)
      %dma_wait3A_206 = arith.constant 8 : i32
      %dma_wait3A_207 = arith.constant 0 : i32
      %dma_wait3A_208 = tpu.memref_slice %arg6[%dma_wait3A_206, %dma_wait3A_207] : memref<32x128xf32, #tpu.memory_space<vmem>> -> memref<8x128xf32, #tpu.memory_space<vmem>>
      %dma_wait3A_209 = arith.constant 8 : i32
      %dma_wait3A_210 = tpu.memref_slice %arg2[%dma_wait3A_209, %multiple_of3A_195] : memref<32x1000000xf32, #tpu.memory_space<hbm>> -> memref<8x128xf32, #tpu.memory_space<hbm>>
      %dma_wait3A_211 = arith.constant 8 : i32
      %dma_wait3A_212 = arith.constant 0 : i32
      %dma_wait3A_213 = tpu.memref_slice %arg6[%dma_wait3A_211, %dma_wait3A_212] : memref<32x128xf32, #tpu.memory_space<vmem>> -> memref<8x128xf32, #tpu.memory_space<vmem>>
      %dma_wait3A_214 = arith.constant 8 : i32
      %dma_wait3A_215 = tpu.memref_slice %arg2[%dma_wait3A_214, %multiple_of3A_195] : memref<32x1000000xf32, #tpu.memory_space<hbm>> -> memref<8x128xf32, #tpu.memory_space<hbm>>
      tpu.wait_dma2 semaphore(%arg10 : memref<!tpu.dma_semaphore, #tpu.memory_space<semaphore_mem>>) src(%dma_wait3A_215 : memref<8x128xf32, #tpu.memory_space<hbm>>) dst(%dma_wait3A_213 : memref<8x128xf32, #tpu.memory_space<vmem>>)
      %dma_wait3A_216 = arith.constant 16 : i32
      %dma_wait3A_217 = arith.constant 0 : i32
      %dma_wait3A_218 = tpu.memref_slice %arg6[%dma_wait3A_216, %dma_wait3A_217] : memref<32x128xf32, #tpu.memory_space<vmem>> -> memref<8x128xf32, #tpu.memory_space<vmem>>
      %dma_wait3A_219 = arith.constant 16 : i32
      %dma_wait3A_220 = tpu.memref_slice %arg2[%dma_wait3A_219, %multiple_of3A_195] : memref<32x1000000xf32, #tpu.memory_space<hbm>> -> memref<8x128xf32, #tpu.memory_space<hbm>>
      %dma_wait3A_221 = arith.constant 16 : i32
      %dma_wait3A_222 = arith.constant 0 : i32
      %dma_wait3A_223 = tpu.memref_slice %arg6[%dma_wait3A_221, %dma_wait3A_222] : memref<32x128xf32, #tpu.memory_space<vmem>> -> memref<8x128xf32, #tpu.memory_space<vmem>>
      %dma_wait3A_224 = arith.constant 16 : i32
      %dma_wait3A_225 = tpu.memref_slice %arg2[%dma_wait3A_224, %multiple_of3A_195] : memref<32x1000000xf32, #tpu.memory_space<hbm>> -> memref<8x128xf32, #tpu.memory_space<hbm>>
      tpu.wait_dma2 semaphore(%arg10 : memref<!tpu.dma_semaphore, #tpu.memory_space<semaphore_mem>>) src(%dma_wait3A_225 : memref<8x128xf32, #tpu.memory_space<hbm>>) dst(%dma_wait3A_223 : memref<8x128xf32, #tpu.memory_space<vmem>>)
      %dma_wait3A_226 = arith.constant 24 : i32
      %dma_wait3A_227 = arith.constant 0 : i32
      %dma_wait3A_228 = tpu.memref_slice %arg6[%dma_wait3A_226, %dma_wait3A_227] : memref<32x128xf32, #tpu.memory_space<vmem>> -> memref<8x128xf32, #tpu.memory_space<vmem>>
      %dma_wait3A_229 = arith.constant 24 : i32
      %dma_wait3A_230 = tpu.memref_slice %arg2[%dma_wait3A_229, %multiple_of3A_195] : memref<32x1000000xf32, #tpu.memory_space<hbm>> -> memref<8x128xf32, #tpu.memory_space<hbm>>
      %dma_wait3A_231 = arith.constant 24 : i32
      %dma_wait3A_232 = arith.constant 0 : i32
      %dma_wait3A_233 = tpu.memref_slice %arg6[%dma_wait3A_231, %dma_wait3A_232] : memref<32x128xf32, #tpu.memory_space<vmem>> -> memref<8x128xf32, #tpu.memory_space<vmem>>
      %dma_wait3A_234 = arith.constant 24 : i32
      %dma_wait3A_235 = tpu.memref_slice %arg2[%dma_wait3A_234, %multiple_of3A_195] : memref<32x1000000xf32, #tpu.memory_space<hbm>> -> memref<8x128xf32, #tpu.memory_space<hbm>>
      tpu.wait_dma2 semaphore(%arg10 : memref<!tpu.dma_semaphore, #tpu.memory_space<semaphore_mem>>) src(%dma_wait3A_235 : memref<8x128xf32, #tpu.memory_space<hbm>>) dst(%dma_wait3A_233 : memref<8x128xf32, #tpu.memory_space<vmem>>)
      %ge3A_236 = arith.constant 1 : i32
      %ge3A_237 = arith.cmpi sge, %scan3A_116, %ge3A_236 : i32
      %convert_element_type3A_238 = arith.extui %ge3A_237 : i1 to i32
      %cond3A_239 = arith.constant 0 : i32
      %cond3A_240 = arith.cmpi ne, %convert_element_type3A_238, %cond3A_239 : i32
      scf.if %cond3A_240 {
        %sub3A = arith.constant 2 : i32
        %sub3A_259 = arith.subi %add3A_189, %sub3A : i32
        %mul3A_260 = arith.constant 32 : i32
        %mul3A_261 = arith.muli %mul3A_260, %sub3A_259 : i32
        %add3A_262 = arith.addi %add3A, %mul3A_261 : i32
        %mul3A_263 = arith.constant 4096 : i32
        %mul3A_264 = arith.muli %add3A_262, %mul3A_263 : i32
        %multiple_of3A_265 = tpu.assume_multiple %mul3A_264, 8 : i32
        %dma_wait3A_266 = tpu.memref_slice %arg4[%multiple_of3A_265] : memref<32000000xf32, #tpu.memory_space<hbm>> -> memref<4096xf32, #tpu.memory_space<hbm>>
        %dma_wait3A_267 = tpu.memref_slice %arg4[%multiple_of3A_265] : memref<32000000xf32, #tpu.memory_space<hbm>> -> memref<4096xf32, #tpu.memory_space<hbm>>
        tpu.wait_dma2 semaphore(%arg12 : memref<!tpu.dma_semaphore, #tpu.memory_space<semaphore_mem>>) src(%arg8 : memref<4096xf32, #tpu.memory_space<vmem>>) dst(%dma_wait3A_267 : memref<4096xf32, #tpu.memory_space<hbm>>)
      } else {
      }
      %parallel_loop3A_241 = arith.constant 0 : i32
      %parallel_loop3A_242 = arith.constant 256 : i32
      %parallel_loop3A_243 = arith.constant 1 : i32
      scf.for %parallel_loop3A_259 = %parallel_loop3A_241 to %parallel_loop3A_242 step %parallel_loop3A_243  : i32 {
        %parallel_loop3A_260 = arith.constant 3 : i32
        %parallel_loop3A_261 = arith.shrsi %parallel_loop3A_259, %parallel_loop3A_260 : i32
        %parallel_loop3A_262 = arith.constant 7 : i32
        %parallel_loop3A_263 = arith.andi %parallel_loop3A_259, %parallel_loop3A_262 : i32
        %parallel_loop3A_264 = vector.broadcast %parallel_loop3A_261 : i32 to vector<16xi32>
        %parallel_loop3A_265 = arith.addi %parallel_loop3A_264, %iota3A : vector<16xi32>
        %parallel_loop3A_266 = arith.constant 31 : i32
        %parallel_loop3A_267 = vector.broadcast %parallel_loop3A_266 : i32 to vector<16xi32>
        %parallel_loop3A_268 = arith.andi %parallel_loop3A_265, %parallel_loop3A_267 : vector<16xi32>
        %parallel_loop3A_269 = arith.constant 16 : i32
        %parallel_loop3A_270 = arith.muli %parallel_loop3A_263, %parallel_loop3A_269 : i32
        %parallel_loop3A_271 = vector.broadcast %parallel_loop3A_270 : i32 to vector<16xi32>
        %parallel_loop3A_272 = arith.addi %parallel_loop3A_271, %iota3A : vector<16xi32>
        %parallel_loop3A_273 = tpu.vector_load_idx %arg6[%parallel_loop3A_268, %parallel_loop3A_272] : memref<32x128xf32, #tpu.memory_space<vmem>>[vector<16xi32>, vector<16xi32>], vector<16xf32>,
        %parallel_loop3A_274 = arith.constant 512 : i32
        %parallel_loop3A_275 = arith.muli %parallel_loop3A_263, %parallel_loop3A_274 : i32
        %parallel_loop3A_276 = vector.broadcast %parallel_loop3A_275 : i32 to vector<16xi32>
        %parallel_loop3A_277 = arith.addi %parallel_loop3A_276, %mul3A_3 : vector<16xi32>
        %parallel_loop3A_278 = arith.addi %parallel_loop3A_277, %parallel_loop3A_268 : vector<16xi32>
        tpu.vector_store_idx %arg8[%parallel_loop3A_278], %parallel_loop3A_273 : memref<4096xf32, #tpu.memory_space<vmem>>[vector<16xi32>], vector<16xf32>,
      } {sc.loop_unroll_factor = 8 : i64, sc.parallel_access}
      %mul3A_244 = arith.constant 32 : i32
      %mul3A_245 = arith.muli %mul3A_244, %add3A_189 : i32
      %add3A_246 = arith.addi %add3A, %mul3A_245 : i32
      %mul3A_247 = arith.constant 4096 : i32
      %mul3A_248 = arith.muli %add3A_246, %mul3A_247 : i32
      %multiple_of3A_249 = tpu.assume_multiple %mul3A_248, 8 : i32
      %dma_start3A_250 = tpu.memref_slice %arg4[%multiple_of3A_249] : memref<32000000xf32, #tpu.memory_space<hbm>> -> memref<4096xf32, #tpu.memory_space<hbm>>
      %dma_start3A_251 = tpu.memref_slice %arg4[%multiple_of3A_249] : memref<32000000xf32, #tpu.memory_space<hbm>> -> memref<4096xf32, #tpu.memory_space<hbm>>
      tpu.enqueue_dma source(%arg8 : memref<4096xf32, #tpu.memory_space<vmem>>) target(%dma_start3A_251 : memref<4096xf32, #tpu.memory_space<hbm>>) target_semaphore(%arg12 : memref<!tpu.dma_semaphore, #tpu.memory_space<semaphore_mem>>)
      %add3A_252 = arith.constant 2 : i32
      %add3A_253 = arith.addi %add3A_189, %add3A_252 : i32
      %lt3A_254 = arith.constant 244 : i32
      %lt3A_255 = arith.cmpi slt, %add3A_253, %lt3A_254 : i32
      %convert_element_type3A_256 = arith.extui %lt3A_255 : i1 to i32
      %cond3A_257 = arith.constant 0 : i32
      %cond3A_258 = arith.cmpi ne, %convert_element_type3A_256, %cond3A_257 : i32
      scf.if %cond3A_258 {
        %add3A_259 = arith.constant 2 : i32
        %add3A_260 = arith.addi %add3A_189, %add3A_259 : i32
        %mul3A_261 = arith.constant 32 : i32
        %mul3A_262 = arith.muli %mul3A_261, %add3A_260 : i32
        %add3A_263 = arith.addi %add3A, %mul3A_262 : i32
        %mul3A_264 = arith.constant 128 : i32
        %mul3A_265 = arith.muli %add3A_263, %mul3A_264 : i32
        %multiple_of3A_266 = tpu.assume_multiple %mul3A_265, 128 : i32
        %dma_start3A_267 = arith.constant 0 : i32
        %dma_start3A_268 = arith.constant 0 : i32
        %dma_start3A_269 = tpu.memref_slice %arg6[%dma_start3A_267, %dma_start3A_268] : memref<32x128xf32, #tpu.memory_space<vmem>> -> memref<8x128xf32, #tpu.memory_space<vmem>>
        %dma_start3A_270 = arith.constant 0 : i32
        %dma_start3A_271 = tpu.memref_slice %arg2[%dma_start3A_270, %multiple_of3A_266] : memref<32x1000000xf32, #tpu.memory_space<hbm>> -> memref<8x128xf32, #tpu.memory_space<hbm>>
        %dma_start3A_272 = arith.constant 0 : i32
        %dma_start3A_273 = arith.constant 0 : i32
        %dma_start3A_274 = tpu.memref_slice %arg6[%dma_start3A_272, %dma_start3A_273] : memref<32x128xf32, #tpu.memory_space<vmem>> -> memref<8x128xf32, #tpu.memory_space<vmem>>
        %dma_start3A_275 = arith.constant 0 : i32
        %dma_start3A_276 = tpu.memref_slice %arg2[%dma_start3A_275, %multiple_of3A_266] : memref<32x1000000xf32, #tpu.memory_space<hbm>> -> memref<8x128xf32, #tpu.memory_space<hbm>>
        tpu.enqueue_dma source(%dma_start3A_276 : memref<8x128xf32, #tpu.memory_space<hbm>>) target(%dma_start3A_274 : memref<8x128xf32, #tpu.memory_space<vmem>>) target_semaphore(%arg10 : memref<!tpu.dma_semaphore, #tpu.memory_space<semaphore_mem>>)
        %dma_start3A_277 = arith.constant 8 : i32
        %dma_start3A_278 = arith.constant 0 : i32
        %dma_start3A_279 = tpu.memref_slice %arg6[%dma_start3A_277, %dma_start3A_278] : memref<32x128xf32, #tpu.memory_space<vmem>> -> memref<8x128xf32, #tpu.memory_space<vmem>>
        %dma_start3A_280 = arith.constant 8 : i32
        %dma_start3A_281 = tpu.memref_slice %arg2[%dma_start3A_280, %multiple_of3A_266] : memref<32x1000000xf32, #tpu.memory_space<hbm>> -> memref<8x128xf32, #tpu.memory_space<hbm>>
        %dma_start3A_282 = arith.constant 8 : i32
        %dma_start3A_283 = arith.constant 0 : i32
        %dma_start3A_284 = tpu.memref_slice %arg6[%dma_start3A_282, %dma_start3A_283] : memref<32x128xf32, #tpu.memory_space<vmem>> -> memref<8x128xf32, #tpu.memory_space<vmem>>
        %dma_start3A_285 = arith.constant 8 : i32
        %dma_start3A_286 = tpu.memref_slice %arg2[%dma_start3A_285, %multiple_of3A_266] : memref<32x1000000xf32, #tpu.memory_space<hbm>> -> memref<8x128xf32, #tpu.memory_space<hbm>>
        tpu.enqueue_dma source(%dma_start3A_286 : memref<8x128xf32, #tpu.memory_space<hbm>>) target(%dma_start3A_284 : memref<8x128xf32, #tpu.memory_space<vmem>>) target_semaphore(%arg10 : memref<!tpu.dma_semaphore, #tpu.memory_space<semaphore_mem>>)
        %dma_start3A_287 = arith.constant 16 : i32
        %dma_start3A_288 = arith.constant 0 : i32
        %dma_start3A_289 = tpu.memref_slice %arg6[%dma_start3A_287, %dma_start3A_288] : memref<32x128xf32, #tpu.memory_space<vmem>> -> memref<8x128xf32, #tpu.memory_space<vmem>>
        %dma_start3A_290 = arith.constant 16 : i32
        %dma_start3A_291 = tpu.memref_slice %arg2[%dma_start3A_290, %multiple_of3A_266] : memref<32x1000000xf32, #tpu.memory_space<hbm>> -> memref<8x128xf32, #tpu.memory_space<hbm>>
        %dma_start3A_292 = arith.constant 16 : i32
        %dma_start3A_293 = arith.constant 0 : i32
        %dma_start3A_294 = tpu.memref_slice %arg6[%dma_start3A_292, %dma_start3A_293] : memref<32x128xf32, #tpu.memory_space<vmem>> -> memref<8x128xf32, #tpu.memory_space<vmem>>
        %dma_start3A_295 = arith.constant 16 : i32
        %dma_start3A_296 = tpu.memref_slice %arg2[%dma_start3A_295, %multiple_of3A_266] : memref<32x1000000xf32, #tpu.memory_space<hbm>> -> memref<8x128xf32, #tpu.memory_space<hbm>>
        tpu.enqueue_dma source(%dma_start3A_296 : memref<8x128xf32, #tpu.memory_space<hbm>>) target(%dma_start3A_294 : memref<8x128xf32, #tpu.memory_space<vmem>>) target_semaphore(%arg10 : memref<!tpu.dma_semaphore, #tpu.memory_space<semaphore_mem>>)
        %dma_start3A_297 = arith.constant 24 : i32
        %dma_start3A_298 = arith.constant 0 : i32
        %dma_start3A_299 = tpu.memref_slice %arg6[%dma_start3A_297, %dma_start3A_298] : memref<32x128xf32, #tpu.memory_space<vmem>> -> memref<8x128xf32, #tpu.memory_space<vmem>>
        %dma_start3A_300 = arith.constant 24 : i32
        %dma_start3A_301 = tpu.memref_slice %arg2[%dma_start3A_300, %multiple_of3A_266] : memref<32x1000000xf32, #tpu.memory_space<hbm>> -> memref<8x128xf32, #tpu.memory_space<hbm>>
        %dma_start3A_302 = arith.constant 24 : i32
        %dma_start3A_303 = arith.constant 0 : i32
        %dma_start3A_304 = tpu.memref_slice %arg6[%dma_start3A_302, %dma_start3A_303] : memref<32x128xf32, #tpu.memory_space<vmem>> -> memref<8x128xf32, #tpu.memory_space<vmem>>
        %dma_start3A_305 = arith.constant 24 : i32
        %dma_start3A_306 = tpu.memref_slice %arg2[%dma_start3A_305, %multiple_of3A_266] : memref<32x1000000xf32, #tpu.memory_space<hbm>> -> memref<8x128xf32, #tpu.memory_space<hbm>>
        tpu.enqueue_dma source(%dma_start3A_306 : memref<8x128xf32, #tpu.memory_space<hbm>>) target(%dma_start3A_304 : memref<8x128xf32, #tpu.memory_space<vmem>>) target_semaphore(%arg10 : memref<!tpu.dma_semaphore, #tpu.memory_space<semaphore_mem>>)
      } else {
      }
    }
    %scan3A_96 = arith.constant 122 : i32
    %add3A_97 = arith.constant 7744 : i32
    %add3A_98 = arith.addi %add3A, %add3A_97 : i32
    %mul3A_99 = arith.constant 4096 : i32
    %mul3A_100 = arith.muli %add3A_98, %mul3A_99 : i32
    %multiple_of3A_101 = tpu.assume_multiple %mul3A_100, 8 : i32
    %dma_wait3A = tpu.memref_slice %arg4[%multiple_of3A_101] : memref<32000000xf32, #tpu.memory_space<hbm>> -> memref<4096xf32, #tpu.memory_space<hbm>>
    %dma_wait3A_102 = tpu.memref_slice %arg4[%multiple_of3A_101] : memref<32000000xf32, #tpu.memory_space<hbm>> -> memref<4096xf32, #tpu.memory_space<hbm>>
    tpu.wait_dma2 semaphore(%arg11 : memref<!tpu.dma_semaphore, #tpu.memory_space<semaphore_mem>>) src(%arg7 : memref<4096xf32, #tpu.memory_space<vmem>>) dst(%dma_wait3A_102 : memref<4096xf32, #tpu.memory_space<hbm>>)
    %add3A_103 = arith.constant 7776 : i32
    %add3A_104 = arith.addi %add3A, %add3A_103 : i32
    %mul3A_105 = arith.constant 4096 : i32
    %mul3A_106 = arith.muli %add3A_104, %mul3A_105 : i32
    %multiple_of3A_107 = tpu.assume_multiple %mul3A_106, 8 : i32
    %dma_wait3A_108 = tpu.memref_slice %arg4[%multiple_of3A_107] : memref<32000000xf32, #tpu.memory_space<hbm>> -> memref<4096xf32, #tpu.memory_space<hbm>>
    %dma_wait3A_109 = tpu.memref_slice %arg4[%multiple_of3A_107] : memref<32000000xf32, #tpu.memory_space<hbm>> -> memref<4096xf32, #tpu.memory_space<hbm>>
    tpu.wait_dma2 semaphore(%arg12 : memref<!tpu.dma_semaphore, #tpu.memory_space<semaphore_mem>>) src(%arg8 : memref<4096xf32, #tpu.memory_space<vmem>>) dst(%dma_wait3A_109 : memref<4096xf32, #tpu.memory_space<hbm>>)
    %lt3A = arith.constant 4 : i32
    %lt3A_110 = arith.cmpi slt, %add3A, %lt3A : i32
    %convert_element_type3A = arith.extui %lt3A_110 : i1 to i32
    %cond3A = arith.constant 0 : i32
    %cond3A_111 = arith.cmpi ne, %convert_element_type3A, %cond3A : i32
    scf.if %cond3A_111 {
      %add3A_116 = arith.constant 7808 : i32
      %add3A_117 = arith.addi %add3A_116, %add3A : i32
      %mul3A_118 = arith.constant 128 : i32
      %mul3A_119 = arith.muli %add3A_117, %mul3A_118 : i32
      %multiple_of3A_120 = tpu.assume_multiple %mul3A_119, 128 : i32
      %dma_start3A_121 = arith.constant 0 : i32
      %dma_start3A_122 = arith.constant 0 : i32
      %dma_start3A_123 = tpu.memref_slice %arg5[%dma_start3A_121, %dma_start3A_122] : memref<32x128xf32, #tpu.memory_space<vmem>> -> memref<8x128xf32, #tpu.memory_space<vmem>>
      %dma_start3A_124 = arith.constant 0 : i32
      %dma_start3A_125 = tpu.memref_slice %arg2[%dma_start3A_124, %multiple_of3A_120] : memref<32x1000000xf32, #tpu.memory_space<hbm>> -> memref<8x128xf32, #tpu.memory_space<hbm>>
      %dma_start3A_126 = arith.constant 0 : i32
      %dma_start3A_127 = arith.constant 0 : i32
      %dma_start3A_128 = tpu.memref_slice %arg5[%dma_start3A_126, %dma_start3A_127] : memref<32x128xf32, #tpu.memory_space<vmem>> -> memref<8x128xf32, #tpu.memory_space<vmem>>
      %dma_start3A_129 = arith.constant 0 : i32
      %dma_start3A_130 = tpu.memref_slice %arg2[%dma_start3A_129, %multiple_of3A_120] : memref<32x1000000xf32, #tpu.memory_space<hbm>> -> memref<8x128xf32, #tpu.memory_space<hbm>>
      tpu.enqueue_dma source(%dma_start3A_130 : memref<8x128xf32, #tpu.memory_space<hbm>>) target(%dma_start3A_128 : memref<8x128xf32, #tpu.memory_space<vmem>>) target_semaphore(%arg9 : memref<!tpu.dma_semaphore, #tpu.memory_space<semaphore_mem>>)
      %dma_start3A_131 = arith.constant 8 : i32
      %dma_start3A_132 = arith.constant 0 : i32
      %dma_start3A_133 = tpu.memref_slice %arg5[%dma_start3A_131, %dma_start3A_132] : memref<32x128xf32, #tpu.memory_space<vmem>> -> memref<8x128xf32, #tpu.memory_space<vmem>>
      %dma_start3A_134 = arith.constant 8 : i32
      %dma_start3A_135 = tpu.memref_slice %arg2[%dma_start3A_134, %multiple_of3A_120] : memref<32x1000000xf32, #tpu.memory_space<hbm>> -> memref<8x128xf32, #tpu.memory_space<hbm>>
      %dma_start3A_136 = arith.constant 8 : i32
      %dma_start3A_137 = arith.constant 0 : i32
      %dma_start3A_138 = tpu.memref_slice %arg5[%dma_start3A_136, %dma_start3A_137] : memref<32x128xf32, #tpu.memory_space<vmem>> -> memref<8x128xf32, #tpu.memory_space<vmem>>
      %dma_start3A_139 = arith.constant 8 : i32
      %dma_start3A_140 = tpu.memref_slice %arg2[%dma_start3A_139, %multiple_of3A_120] : memref<32x1000000xf32, #tpu.memory_space<hbm>> -> memref<8x128xf32, #tpu.memory_space<hbm>>
      tpu.enqueue_dma source(%dma_start3A_140 : memref<8x128xf32, #tpu.memory_space<hbm>>) target(%dma_start3A_138 : memref<8x128xf32, #tpu.memory_space<vmem>>) target_semaphore(%arg9 : memref<!tpu.dma_semaphore, #tpu.memory_space<semaphore_mem>>)
      %dma_start3A_141 = arith.constant 16 : i32
      %dma_start3A_142 = arith.constant 0 : i32
      %dma_start3A_143 = tpu.memref_slice %arg5[%dma_start3A_141, %dma_start3A_142] : memref<32x128xf32, #tpu.memory_space<vmem>> -> memref<8x128xf32, #tpu.memory_space<vmem>>
      %dma_start3A_144 = arith.constant 16 : i32
      %dma_start3A_145 = tpu.memref_slice %arg2[%dma_start3A_144, %multiple_of3A_120] : memref<32x1000000xf32, #tpu.memory_space<hbm>> -> memref<8x128xf32, #tpu.memory_space<hbm>>
      %dma_start3A_146 = arith.constant 16 : i32
      %dma_start3A_147 = arith.constant 0 : i32
      %dma_start3A_148 = tpu.memref_slice %arg5[%dma_start3A_146, %dma_start3A_147] : memref<32x128xf32, #tpu.memory_space<vmem>> -> memref<8x128xf32, #tpu.memory_space<vmem>>
      %dma_start3A_149 = arith.constant 16 : i32
      %dma_start3A_150 = tpu.memref_slice %arg2[%dma_start3A_149, %multiple_of3A_120] : memref<32x1000000xf32, #tpu.memory_space<hbm>> -> memref<8x128xf32, #tpu.memory_space<hbm>>
      tpu.enqueue_dma source(%dma_start3A_150 : memref<8x128xf32, #tpu.memory_space<hbm>>) target(%dma_start3A_148 : memref<8x128xf32, #tpu.memory_space<vmem>>) target_semaphore(%arg9 : memref<!tpu.dma_semaphore, #tpu.memory_space<semaphore_mem>>)
      %dma_start3A_151 = arith.constant 24 : i32
      %dma_start3A_152 = arith.constant 0 : i32
      %dma_start3A_153 = tpu.memref_slice %arg5[%dma_start3A_151, %dma_start3A_152] : memref<32x128xf32, #tpu.memory_space<vmem>> -> memref<8x128xf32, #tpu.memory_space<vmem>>
      %dma_start3A_154 = arith.constant 24 : i32
      %dma_start3A_155 = tpu.memref_slice %arg2[%dma_start3A_154, %multiple_of3A_120] : memref<32x1000000xf32, #tpu.memory_space<hbm>> -> memref<8x128xf32, #tpu.memory_space<hbm>>
      %dma_start3A_156 = arith.constant 24 : i32
      %dma_start3A_157 = arith.constant 0 : i32
      %dma_start3A_158 = tpu.memref_slice %arg5[%dma_start3A_156, %dma_start3A_157] : memref<32x128xf32, #tpu.memory_space<vmem>> -> memref<8x128xf32, #tpu.memory_space<vmem>>
      %dma_start3A_159 = arith.constant 24 : i32
      %dma_start3A_160 = tpu.memref_slice %arg2[%dma_start3A_159, %multiple_of3A_120] : memref<32x1000000xf32, #tpu.memory_space<hbm>> -> memref<8x128xf32, #tpu.memory_space<hbm>>
      tpu.enqueue_dma source(%dma_start3A_160 : memref<8x128xf32, #tpu.memory_space<hbm>>) target(%dma_start3A_158 : memref<8x128xf32, #tpu.memory_space<vmem>>) target_semaphore(%arg9 : memref<!tpu.dma_semaphore, #tpu.memory_space<semaphore_mem>>)
      %mul3A_161 = arith.constant 128 : i32
      %mul3A_162 = arith.muli %add3A_117, %mul3A_161 : i32
      %multiple_of3A_163 = tpu.assume_multiple %mul3A_162, 128 : i32
      %dma_wait3A_164 = arith.constant 0 : i32
      %dma_wait3A_165 = arith.constant 0 : i32
      %dma_wait3A_166 = tpu.memref_slice %arg5[%dma_wait3A_164, %dma_wait3A_165] : memref<32x128xf32, #tpu.memory_space<vmem>> -> memref<8x128xf32, #tpu.memory_space<vmem>>
      %dma_wait3A_167 = arith.constant 0 : i32
      %dma_wait3A_168 = tpu.memref_slice %arg2[%dma_wait3A_167, %multiple_of3A_163] : memref<32x1000000xf32, #tpu.memory_space<hbm>> -> memref<8x128xf32, #tpu.memory_space<hbm>>
      %dma_wait3A_169 = arith.constant 0 : i32
      %dma_wait3A_170 = arith.constant 0 : i32
      %dma_wait3A_171 = tpu.memref_slice %arg5[%dma_wait3A_169, %dma_wait3A_170] : memref<32x128xf32, #tpu.memory_space<vmem>> -> memref<8x128xf32, #tpu.memory_space<vmem>>
      %dma_wait3A_172 = arith.constant 0 : i32
      %dma_wait3A_173 = tpu.memref_slice %arg2[%dma_wait3A_172, %multiple_of3A_163] : memref<32x1000000xf32, #tpu.memory_space<hbm>> -> memref<8x128xf32, #tpu.memory_space<hbm>>
      tpu.wait_dma2 semaphore(%arg9 : memref<!tpu.dma_semaphore, #tpu.memory_space<semaphore_mem>>) src(%dma_wait3A_173 : memref<8x128xf32, #tpu.memory_space<hbm>>) dst(%dma_wait3A_171 : memref<8x128xf32, #tpu.memory_space<vmem>>)
      %dma_wait3A_174 = arith.constant 8 : i32
      %dma_wait3A_175 = arith.constant 0 : i32
      %dma_wait3A_176 = tpu.memref_slice %arg5[%dma_wait3A_174, %dma_wait3A_175] : memref<32x128xf32, #tpu.memory_space<vmem>> -> memref<8x128xf32, #tpu.memory_space<vmem>>
      %dma_wait3A_177 = arith.constant 8 : i32
      %dma_wait3A_178 = tpu.memref_slice %arg2[%dma_wait3A_177, %multiple_of3A_163] : memref<32x1000000xf32, #tpu.memory_space<hbm>> -> memref<8x128xf32, #tpu.memory_space<hbm>>
      %dma_wait3A_179 = arith.constant 8 : i32
      %dma_wait3A_180 = arith.constant 0 : i32
      %dma_wait3A_181 = tpu.memref_slice %arg5[%dma_wait3A_179, %dma_wait3A_180] : memref<32x128xf32, #tpu.memory_space<vmem>> -> memref<8x128xf32, #tpu.memory_space<vmem>>
      %dma_wait3A_182 = arith.constant 8 : i32
      %dma_wait3A_183 = tpu.memref_slice %arg2[%dma_wait3A_182, %multiple_of3A_163] : memref<32x1000000xf32, #tpu.memory_space<hbm>> -> memref<8x128xf32, #tpu.memory_space<hbm>>
      tpu.wait_dma2 semaphore(%arg9 : memref<!tpu.dma_semaphore, #tpu.memory_space<semaphore_mem>>) src(%dma_wait3A_183 : memref<8x128xf32, #tpu.memory_space<hbm>>) dst(%dma_wait3A_181 : memref<8x128xf32, #tpu.memory_space<vmem>>)
      %dma_wait3A_184 = arith.constant 16 : i32
      %dma_wait3A_185 = arith.constant 0 : i32
      %dma_wait3A_186 = tpu.memref_slice %arg5[%dma_wait3A_184, %dma_wait3A_185] : memref<32x128xf32, #tpu.memory_space<vmem>> -> memref<8x128xf32, #tpu.memory_space<vmem>>
      %dma_wait3A_187 = arith.constant 16 : i32
      %dma_wait3A_188 = tpu.memref_slice %arg2[%dma_wait3A_187, %multiple_of3A_163] : memref<32x1000000xf32, #tpu.memory_space<hbm>> -> memref<8x128xf32, #tpu.memory_space<hbm>>
      %dma_wait3A_189 = arith.constant 16 : i32
      %dma_wait3A_190 = arith.constant 0 : i32
      %dma_wait3A_191 = tpu.memref_slice %arg5[%dma_wait3A_189, %dma_wait3A_190] : memref<32x128xf32, #tpu.memory_space<vmem>> -> memref<8x128xf32, #tpu.memory_space<vmem>>
      %dma_wait3A_192 = arith.constant 16 : i32
      %dma_wait3A_193 = tpu.memref_slice %arg2[%dma_wait3A_192, %multiple_of3A_163] : memref<32x1000000xf32, #tpu.memory_space<hbm>> -> memref<8x128xf32, #tpu.memory_space<hbm>>
      tpu.wait_dma2 semaphore(%arg9 : memref<!tpu.dma_semaphore, #tpu.memory_space<semaphore_mem>>) src(%dma_wait3A_193 : memref<8x128xf32, #tpu.memory_space<hbm>>) dst(%dma_wait3A_191 : memref<8x128xf32, #tpu.memory_space<vmem>>)
      %dma_wait3A_194 = arith.constant 24 : i32
      %dma_wait3A_195 = arith.constant 0 : i32
      %dma_wait3A_196 = tpu.memref_slice %arg5[%dma_wait3A_194, %dma_wait3A_195] : memref<32x128xf32, #tpu.memory_space<vmem>> -> memref<8x128xf32, #tpu.memory_space<vmem>>
      %dma_wait3A_197 = arith.constant 24 : i32
      %dma_wait3A_198 = tpu.memref_slice %arg2[%dma_wait3A_197, %multiple_of3A_163] : memref<32x1000000xf32, #tpu.memory_space<hbm>> -> memref<8x128xf32, #tpu.memory_space<hbm>>
      %dma_wait3A_199 = arith.constant 24 : i32
      %dma_wait3A_200 = arith.constant 0 : i32
      %dma_wait3A_201 = tpu.memref_slice %arg5[%dma_wait3A_199, %dma_wait3A_200] : memref<32x128xf32, #tpu.memory_space<vmem>> -> memref<8x128xf32, #tpu.memory_space<vmem>>
      %dma_wait3A_202 = arith.constant 24 : i32
      %dma_wait3A_203 = tpu.memref_slice %arg2[%dma_wait3A_202, %multiple_of3A_163] : memref<32x1000000xf32, #tpu.memory_space<hbm>> -> memref<8x128xf32, #tpu.memory_space<hbm>>
      tpu.wait_dma2 semaphore(%arg9 : memref<!tpu.dma_semaphore, #tpu.memory_space<semaphore_mem>>) src(%dma_wait3A_203 : memref<8x128xf32, #tpu.memory_space<hbm>>) dst(%dma_wait3A_201 : memref<8x128xf32, #tpu.memory_space<vmem>>)
      %parallel_loop3A = arith.constant 0 : i32
      %parallel_loop3A_204 = arith.constant 256 : i32
      %parallel_loop3A_205 = arith.constant 1 : i32
      scf.for %parallel_loop3A_216 = %parallel_loop3A to %parallel_loop3A_204 step %parallel_loop3A_205  : i32 {
        %parallel_loop3A_217 = arith.constant 3 : i32
        %parallel_loop3A_218 = arith.shrsi %parallel_loop3A_216, %parallel_loop3A_217 : i32
        %parallel_loop3A_219 = arith.constant 7 : i32
        %parallel_loop3A_220 = arith.andi %parallel_loop3A_216, %parallel_loop3A_219 : i32
        %parallel_loop3A_221 = vector.broadcast %parallel_loop3A_218 : i32 to vector<16xi32>
        %parallel_loop3A_222 = arith.addi %parallel_loop3A_221, %iota3A : vector<16xi32>
        %parallel_loop3A_223 = arith.constant 31 : i32
        %parallel_loop3A_224 = vector.broadcast %parallel_loop3A_223 : i32 to vector<16xi32>
        %parallel_loop3A_225 = arith.andi %parallel_loop3A_222, %parallel_loop3A_224 : vector<16xi32>
        %parallel_loop3A_226 = arith.constant 16 : i32
        %parallel_loop3A_227 = arith.muli %parallel_loop3A_220, %parallel_loop3A_226 : i32
        %parallel_loop3A_228 = vector.broadcast %parallel_loop3A_227 : i32 to vector<16xi32>
        %parallel_loop3A_229 = arith.addi %parallel_loop3A_228, %iota3A : vector<16xi32>
        %parallel_loop3A_230 = tpu.vector_load_idx %arg5[%parallel_loop3A_225, %parallel_loop3A_229] : memref<32x128xf32, #tpu.memory_space<vmem>>[vector<16xi32>, vector<16xi32>], vector<16xf32>,
        %parallel_loop3A_231 = arith.constant 512 : i32
        %parallel_loop3A_232 = arith.muli %parallel_loop3A_220, %parallel_loop3A_231 : i32
        %parallel_loop3A_233 = vector.broadcast %parallel_loop3A_232 : i32 to vector<16xi32>
        %parallel_loop3A_234 = arith.addi %parallel_loop3A_233, %mul3A_3 : vector<16xi32>
        %parallel_loop3A_235 = arith.addi %parallel_loop3A_234, %parallel_loop3A_225 : vector<16xi32>
        tpu.vector_store_idx %arg7[%parallel_loop3A_235], %parallel_loop3A_230 : memref<4096xf32, #tpu.memory_space<vmem>>[vector<16xi32>], vector<16xf32>,
      } {sc.loop_unroll_factor = 8 : i64, sc.parallel_access}
      %mul3A_206 = arith.constant 4096 : i32
      %mul3A_207 = arith.muli %add3A_117, %mul3A_206 : i32
      %multiple_of3A_208 = tpu.assume_multiple %mul3A_207, 8 : i32
      %dma_start3A_209 = tpu.memref_slice %arg4[%multiple_of3A_208] : memref<32000000xf32, #tpu.memory_space<hbm>> -> memref<4096xf32, #tpu.memory_space<hbm>>
      %dma_start3A_210 = tpu.memref_slice %arg4[%multiple_of3A_208] : memref<32000000xf32, #tpu.memory_space<hbm>> -> memref<4096xf32, #tpu.memory_space<hbm>>
      tpu.enqueue_dma source(%arg7 : memref<4096xf32, #tpu.memory_space<vmem>>) target(%dma_start3A_210 : memref<4096xf32, #tpu.memory_space<hbm>>) target_semaphore(%arg11 : memref<!tpu.dma_semaphore, #tpu.memory_space<semaphore_mem>>)
      %mul3A_211 = arith.constant 4096 : i32
      %mul3A_212 = arith.muli %add3A_117, %mul3A_211 : i32
      %multiple_of3A_213 = tpu.assume_multiple %mul3A_212, 8 : i32
      %dma_wait3A_214 = tpu.memref_slice %arg4[%multiple_of3A_213] : memref<32000000xf32, #tpu.memory_space<hbm>> -> memref<4096xf32, #tpu.memory_space<hbm>>
      %dma_wait3A_215 = tpu.memref_slice %arg4[%multiple_of3A_213] : memref<32000000xf32, #tpu.memory_space<hbm>> -> memref<4096xf32, #tpu.memory_space<hbm>>
      tpu.wait_dma2 semaphore(%arg11 : memref<!tpu.dma_semaphore, #tpu.memory_space<semaphore_mem>>) src(%arg7 : memref<4096xf32, #tpu.memory_space<vmem>>) dst(%dma_wait3A_215 : memref<4096xf32, #tpu.memory_space<hbm>>)
    } else {
    }
    %eq3A = arith.constant 4 : i32
    %eq3A_112 = arith.cmpi eq, %add3A, %eq3A : i32
    %convert_element_type3A_113 = arith.extui %eq3A_112 : i1 to i32
    %cond3A_114 = arith.constant 0 : i32
    %cond3A_115 = arith.cmpi ne, %convert_element_type3A_113, %cond3A_114 : i32
    scf.if %cond3A_115 {
      "tpu.region"() ({
        %run_scoped3A = tpu.sem_alloc : memref<!tpu.dma_semaphore, #tpu.memory_space<semaphore_mem>>
        %dma_start3A_116 = arith.constant 0 : i32
        %dma_start3A_117 = tpu.memref_slice %arg7[%dma_start3A_116] : memref<4096xf32, #tpu.memory_space<vmem>> -> memref<2048xf32, #tpu.memory_space<vmem>>
        %dma_start3A_118 = arith.constant 0 : i32
        %dma_start3A_119 = tpu.memref_slice %arg7[%dma_start3A_118] : memref<4096xf32, #tpu.memory_space<vmem>> -> memref<2048xf32, #tpu.memory_space<vmem>>
        tpu.enqueue_dma source(%arg3 : memref<2048xf32, #tpu.memory_space<hbm>>) target(%dma_start3A_119 : memref<2048xf32, #tpu.memory_space<vmem>>) target_semaphore(%run_scoped3A : memref<!tpu.dma_semaphore, #tpu.memory_space<semaphore_mem>>)
        %dma_wait3A_120 = arith.constant 0 : i32
        %dma_wait3A_121 = tpu.memref_slice %arg7[%dma_wait3A_120] : memref<4096xf32, #tpu.memory_space<vmem>> -> memref<2048xf32, #tpu.memory_space<vmem>>
        %dma_wait3A_122 = arith.constant 0 : i32
        %dma_wait3A_123 = tpu.memref_slice %arg7[%dma_wait3A_122] : memref<4096xf32, #tpu.memory_space<vmem>> -> memref<2048xf32, #tpu.memory_space<vmem>>
        tpu.wait_dma2 semaphore(%run_scoped3A : memref<!tpu.dma_semaphore, #tpu.memory_space<semaphore_mem>>) src(%arg3 : memref<2048xf32, #tpu.memory_space<hbm>>) dst(%dma_wait3A_123 : memref<2048xf32, #tpu.memory_space<vmem>>)
        tpu.yield
      }) : () -> ()
      "tpu.region"() ({
        %run_scoped3A = tpu.sem_alloc : memref<!tpu.dma_semaphore, #tpu.memory_space<semaphore_mem>>
        %dma_start3A_116 = arith.constant 0 : i32
        %dma_start3A_117 = tpu.memref_slice %arg7[%dma_start3A_116] : memref<4096xf32, #tpu.memory_space<vmem>> -> memref<2048xf32, #tpu.memory_space<vmem>>
        %dma_start3A_118 = arith.constant 31997952 : i32
        %dma_start3A_119 = tpu.memref_slice %arg4[%dma_start3A_118] : memref<32000000xf32, #tpu.memory_space<hbm>> -> memref<2048xf32, #tpu.memory_space<hbm>>
        %dma_start3A_120 = arith.constant 31997952 : i32
        %dma_start3A_121 = tpu.memref_slice %arg4[%dma_start3A_120] : memref<32000000xf32, #tpu.memory_space<hbm>> -> memref<2048xf32, #tpu.memory_space<hbm>>
        %dma_start3A_122 = arith.constant 0 : i32
        %dma_start3A_123 = tpu.memref_slice %arg7[%dma_start3A_122] : memref<4096xf32, #tpu.memory_space<vmem>> -> memref<2048xf32, #tpu.memory_space<vmem>>
        tpu.enqueue_dma source(%dma_start3A_123 : memref<2048xf32, #tpu.memory_space<vmem>>) target(%dma_start3A_121 : memref<2048xf32, #tpu.memory_space<hbm>>) target_semaphore(%run_scoped3A : memref<!tpu.dma_semaphore, #tpu.memory_space<semaphore_mem>>)
        %dma_wait3A_124 = arith.constant 0 : i32
        %dma_wait3A_125 = tpu.memref_slice %arg7[%dma_wait3A_124] : memref<4096xf32, #tpu.memory_space<vmem>> -> memref<2048xf32, #tpu.memory_space<vmem>>
        %dma_wait3A_126 = arith.constant 31997952 : i32
        %dma_wait3A_127 = tpu.memref_slice %arg4[%dma_wait3A_126] : memref<32000000xf32, #tpu.memory_space<hbm>> -> memref<2048xf32, #tpu.memory_space<hbm>>
        %dma_wait3A_128 = arith.constant 31997952 : i32
        %dma_wait3A_129 = tpu.memref_slice %arg4[%dma_wait3A_128] : memref<32000000xf32, #tpu.memory_space<hbm>> -> memref<2048xf32, #tpu.memory_space<hbm>>
        %dma_wait3A_130 = arith.constant 0 : i32
        %dma_wait3A_131 = tpu.memref_slice %arg7[%dma_wait3A_130] : memref<4096xf32, #tpu.memory_space<vmem>> -> memref<2048xf32, #tpu.memory_space<vmem>>
        tpu.wait_dma2 semaphore(%run_scoped3A : memref<!tpu.dma_semaphore, #tpu.memory_space<semaphore_mem>>) src(%dma_wait3A_131 : memref<2048xf32, #tpu.memory_space<vmem>>) dst(%dma_wait3A_129 : memref<2048xf32, #tpu.memory_space<hbm>>)
        tpu.yield
      }) : () -> ()
    } else {
    }
    return
  }
}

module attributes {stable_mosaic.version = 14 : i64} {
  func.func @_head_body(%arg0: i32, %arg1: memref<512x1600xf32, #tpu.memory_space<vmem>>, %arg2: memref<1024x1600xbf16, #tpu.memory_space<vmem>>, %arg3: memref<1024x1xf32, #tpu.memory_space<vmem>>, %arg4: memref<1000x512xf32, #tpu.memory_space<vmem>>) attributes {dimension_semantics = [#tpu.dimension_semantics<arbitrary>], iteration_bounds = array<i64: 8>, scalar_prefetch = 0 : i64, scratch_operands = 0 : i64, tpu.core_type = #tpu.core_type<tc>, window_params = [{transform_indices = @transform_0, window_bounds = array<i64: 512, 1600>}, {pipeline_mode = #tpu.pipeline_mode<synchronous>, transform_indices = @transform_1, window_bounds = array<i64: 1024, 1600>}, {pipeline_mode = #tpu.pipeline_mode<synchronous>, transform_indices = @transform_2, window_bounds = array<i64: 1024, 1>}, {transform_indices = @transform_3, window_bounds = array<i64: 1000, 512>}]} {
    %get3A = arith.constant 0 : index
    %get3A_0 = arith.constant 0 : index
    %get3A_1 = vector.load %arg1[%get3A, %get3A_0] : memref<512x1600xf32, #tpu.memory_space<vmem>>, vector<512x1600xf32>
    %convert_element_type3A = arith.truncf %get3A_1 : vector<512x1600xf32> to vector<512x1600xbf16>
    %get3A_2 = arith.constant 0 : index
    %get3A_3 = arith.constant 0 : index
    %get3A_4 = vector.load %arg2[%get3A_2, %get3A_3] : memref<1024x1600xbf16, #tpu.memory_space<vmem>>, vector<1024x1600xbf16>
    %dot_general3A = arith.constant dense<0.000000e+00> : vector<1024x512xf32>
    %dot_general3A_5 = tpu.matmul %get3A_4, %convert_element_type3A, %dot_general3A {dimension_numbers = #tpu.dot_dimension_numbers<[1], [1], [0], [0], [0, 0, 1, 0], [], []>, transpose_lhs_hint = false} : vector<1024x1600xbf16>, vector<512x1600xbf16>, vector<1024x512xf32> -> vector<1024x512xf32>
    %get3A_6 = arith.constant 0 : index
    %get3A_7 = arith.constant 0 : index
    %get3A_8 = vector.load %arg3[%get3A_6, %get3A_7] : memref<1024x1xf32, #tpu.memory_space<vmem>>, vector<1024x1xf32>
    %add3A = vector.broadcast %get3A_8 : vector<1024x1xf32> to vector<1024x512xf32>
    %add3A_9 = arith.addf %dot_general3A_5, %add3A : vector<1024x512xf32>
    %reduce_max3A = arith.constant dense<0xFF800000> : vector<512xf32>
    %reduce_max3A_10 = vector.multi_reduction <maximumf>, %add3A_9, %reduce_max3A [0] : vector<1024x512xf32> to vector<512xf32>
    %broadcast_in_dim3A = vector.shape_cast %reduce_max3A_10 : vector<512xf32> to vector<1x512xf32>
    %sub3A = vector.broadcast %broadcast_in_dim3A : vector<1x512xf32> to vector<1024x512xf32>
    %sub3A_11 = arith.subf %add3A_9, %sub3A : vector<1024x512xf32>
    %exp3A = math.exp %sub3A_11 : vector<1024x512xf32>
    %reduce_sum3A = arith.constant dense<0.000000e+00> : vector<512xf32>
    %reduce_sum3A_12 = vector.multi_reduction <add>, %exp3A, %reduce_sum3A [0] : vector<1024x512xf32> to vector<512xf32>
    %broadcast_in_dim3A_13 = vector.shape_cast %reduce_sum3A_12 : vector<512xf32> to vector<1x512xf32>
    %sub3A_14 = vector.broadcast %broadcast_in_dim3A : vector<1x512xf32> to vector<1024x512xf32>
    %sub3A_15 = arith.subf %add3A_9, %sub3A_14 : vector<1024x512xf32>
    %log3A = math.log %broadcast_in_dim3A_13 : vector<1x512xf32>
    %sub3A_16 = vector.broadcast %log3A : vector<1x512xf32> to vector<1024x512xf32>
    %sub3A_17 = arith.subf %sub3A_15, %sub3A_16 : vector<1024x512xf32>
    %slice3A = vector.extract_strided_slice %sub3A_17 {offsets = [0, 0], sizes = [1000, 512], strides = [1, 1]} : vector<1024x512xf32> to vector<1000x512xf32>
    %swap3A = arith.constant 0 : index
    %swap3A_18 = arith.constant 0 : index
    %swap3A_19 = vector.load %arg4[%swap3A, %swap3A_18] : memref<1000x512xf32, #tpu.memory_space<vmem>>, vector<1000x512xf32>
    tpu.vector_store %arg4[%swap3A, %swap3A_18], %slice3A {strides = array<i32>} : memref<1000x512xf32, #tpu.memory_space<vmem>>, vector<1000x512xf32>,
    return
  }
  func.func @transform_0(%arg0: i32) -> (i32, i32) {
    %c0_i32 = arith.constant 0 : i32
    %c0_i32_0 = arith.constant 0 : i32
    return %arg0, %c0_i32 : i32, i32
  }
  func.func @transform_1(%arg0: i32) -> (i32, i32) {
    %c0_i32 = arith.constant 0 : i32
    %c0_i32_0 = arith.constant 0 : i32
    %c0_i32_1 = arith.constant 0 : i32
    return %c0_i32, %c0_i32_0 : i32, i32
  }
  func.func @transform_2(%arg0: i32) -> (i32, i32) {
    %c0_i32 = arith.constant 0 : i32
    %c0_i32_0 = arith.constant 0 : i32
    %c0_i32_1 = arith.constant 0 : i32
    return %c0_i32, %c0_i32_0 : i32, i32
  }
  func.func @transform_3(%arg0: i32) -> (i32, i32) {
    %c0_i32 = arith.constant 0 : i32
    %c0_i32_0 = arith.constant 0 : i32
    return %c0_i32, %arg0 : i32, i32
  }
}

</mosaic_0001>

<sc_bundles>
// kernel: kernel.5.cloned.1.call-start
scs
__scs_entry_jumppad:
0x0: {  	(pc) =	sbr.rel $0x88, $3  }
0x1: {  	(tag) =	ssettag $0x0;
	lr =	simm.s32 $0x1  }
0x2: {  	[smem:$0x3F9D] =	sst lr;
	_ =	strace $0xD0000000  }
0x3: {  	_ = 	snop  }
0x4: {  	_ = 	snop  }
0x5: {  	_ = 	snop  }
0x6: {  	_ = 	snop  }
0x7: {  	_ = 	snop  }
__scs_overlays_trampoline_lowered:
0x8: {  	[smem:$0x3FAC] =	sst s0  }
0x9: {  	[smem:$0x3FAD] =	sst s1  }
0xa: {  	[smem:$0x3FAE] =	sst s2  }
0xb: {  	[smem:$0x3FAF] =	sst s3  }
0xc: {  	[smem:$0x3FB0] =	sst s4  }
0xd: {  	[smem:$0x3FB1] =	sst s5  }
0xe: {  	[smem:$0x3FB2] =	sst s6  }
0xf: {  	[smem:$0x3FB3] =	sst s7  }
0x10: {  	[smem:$0x3FB4] =	sst s8  }
0x11: {  	[smem:$0x3FB5] =	sst s9;
	s0 =	simm.s32 @!p0 $0x0  }
0x12: {  	s1 =	sld [smem:$0x3F9B];
	s0 =	simm.s32 @p0 $0x1  }
0x13: {  	[smem:$0x3FB6] =	sst s0;
	s0 =	simm.s32 @!p1 $0x0  }
0x14: {  	s2 =	sld [smem:$0x3F9A];
	s0 =	simm.s32 @p1 $0x1  }
0x15: {  	[smem:$0x3FB7] =	sst s0;
	s0 =	simm.s32 @!p2 $0x0  }
0x16: {  	s3 =	sld [smem:$0x3FDB];
	s0 =	simm.s32 @p2 $0x1  }
0x17: {  	s4 =	simm.s32 $0x1BF5;
	[smem:$0x3FB9] =	sst s0  }
0x18: {  	s0 =	sld [smem:$0x3F9C];
	_ =	swait.ge [sflag:s4], $0x0  }
0x19: {  	s7 =	sld [smem:$0x3F9D]  }
0x1a: {  	s8 =	sadd.s32 $0xFFFFE003, lr  }
0x1b: {  	s9 =	sadd.s32 $0xFFFFFEF7, lr;
	s5 =	simm.s32 $0xFFFFFFFF;
	p2 =	slt.u32 s8, $0xFFFFF086  }
0x1c: {  	p1 =	slt.u32 s9, $0xF7A;
	s5 =	simm.s32 @!p2 $0x0  }
0x1d: {  	s5 =	simm.s32 @p1 $0x1;
	p0 =	seq.s32 s7, s2  }
0x1e: {  	s7 =	smul.u32 @!p0 $0xF7A, s2;
	p2 =	seq.s32 @!p0 s5, $0x0  }
0x1f: {  	s9 =	smul.u32 $0xF7A, s1;
	s8 =	simm.s32 @!p0 $0x1BF5;
	p2 =	por !p2, p0  }
0x20: {  	[sflag:s8] =	ssyncset.s32 @!p0 $0xFFFFF086;
	s6 =	sadd.s32 @!p0 s3, s7;
	s7 =	simm.s32 @!p0 $0x108  }
0x21: {  	s3 =	sadd.s32 s3, s9;
	s6 =	sadd.s32 @!p0 $0x88, s6;
	s7 =	simm.s32 @p2 $0x1082  }
0x22: {  	[simem:s7], [sflag:s8] =	dma.local @!p0 [hbm:s6], $0xF7A  }
0x23: {  	s9 =	sor.u32 $0xD0000000, s2;
	s6 =	simm.s32 $0x108;
	_ =	swait.ge @!p0 [sflag:s8], $0x0  }
0x24: {  	s3 =	sadd.s32 $0x88, s3;
	s6 =	simm.s32 @!p1 $0x1082;
	[sflag:s4] =	ssyncset.s32 $0xFFFFF086  }
0x25: {  	[simem:s6], [sflag:s4] =	dma.local [hbm:s3], $0xF7A  }
0x26: {  	[smem:$0x3F9D] =	sst s1;
	(tag) =	ssettag s2;
	_ =	strace s9  }
0x27: {  	s1 =	sld [smem:$0x3FAD]  }
0x28: {  	s2 =	sld [smem:$0x3FAE]  }
0x29: {  	s4 =	sld [smem:$0x3FB0]  }
0x2a: {  	p0 =	seq.s32 s5, $0x0;
	s5 =	sld [smem:$0x3FB1]  }
0x2b: {  	s6 =	sld [smem:$0x3FB2]  }
0x2c: {  	s7 =	sld [smem:$0x3FB3]  }
0x2d: {  	s3 =	simm.s32 $0x108;
	s8 =	sld [smem:$0x3FB4]  }
0x2e: {  	s3 =	simm.s32 @!p0 $0x1082;
	s9 =	sld [smem:$0x3FB5]  }
0x2f: {  	lr =	sadd.s32 s0, s3;
	s0 =	sld [smem:$0x3FAC]  }
0x30: {  	s3 =	sld [smem:$0x3FAF]  }
0x31: {  	[smem:$0x3FB8] =	sst s10  }
0x32: {  	s10 =	sld [smem:$0x3FB6];
	_ =	sdelay $0x3  }
0x33: {  	p0 =	seq.s32 s10, $0x1;
	s10 =	sld [smem:$0x3FB8];
	_ =	sdelay $0x3  }
0x34: {  	[smem:$0x3FB8] =	sst s10  }
0x35: {  	s10 =	sld [smem:$0x3FB7];
	_ =	sdelay $0x3  }
0x36: {  	p1 =	seq.s32 s10, $0x1;
	s10 =	sld [smem:$0x3FB8];
	_ =	sdelay $0x3  }
0x37: {  	[smem:$0x3FB8] =	sst s10  }
0x38: {  	s10 =	sld [smem:$0x3FB9]  }
0x39: {  	_ = 	snop;
	(pc) =	sbr.ind lr, $3  }
0x3a: {  	_ = 	snop  }
0x3b: {  	_ = 	snop  }
0x3c: {  	p2 =	seq.s32 s10, $0x1;
	s10 =	sld [smem:$0x3FB8]  }
0x3d: {  	_ =	shalt  }
0x3e: {  	_ =	shalt  }
0x3f: {  	_ =	shalt  }
0x40: {  	_ =	shalt  }
0x41: {  	_ =	shalt  }
0x42: {  	_ =	shalt  }
0x43: {  	_ =	shalt  }
0x44: {  	_ =	shalt  }
0x45: {  	_ =	shalt  }
0x46: {  	_ =	shalt  }
0x47: {  	_ =	shalt  }
0x48: {  	_ =	shalt  }
0x49: {  	_ =	shalt  }
0x4a: {  	_ =	shalt  }
0x4b: {  	_ =	shalt  }
0x4c: {  	_ =	shalt  }
0x4d: {  	_ =	shalt  }
0x4e: {  	_ =	shalt  }
0x4f: {  	_ =	shalt  }
0x50: {  	_ =	shalt  }
0x51: {  	_ =	shalt  }
0x52: {  	_ =	shalt  }
0x53: {  	_ =	shalt  }
0x54: {  	_ =	shalt  }
0x55: {  	_ =	shalt  }
0x56: {  	_ =	shalt  }
0x57: {  	_ =	shalt  }
0x58: {  	_ =	shalt  }
0x59: {  	_ =	shalt  }
0x5a: {  	_ =	shalt  }
0x5b: {  	_ =	shalt  }
0x5c: {  	_ =	shalt  }
0x5d: {  	_ =	shalt  }
0x5e: {  	_ =	shalt  }
0x5f: {  	_ =	shalt  }
0x60: {  	_ =	shalt  }
0x61: {  	_ =	shalt  }
0x62: {  	_ =	shalt  }
0x63: {  	_ =	shalt  }
0x64: {  	_ =	shalt  }
0x65: {  	_ =	shalt  }
0x66: {  	_ =	shalt  }
0x67: {  	_ =	shalt  }
0x68: {  	_ =	shalt  }
0x69: {  	_ =	shalt  }
0x6a: {  	_ =	shalt  }
0x6b: {  	_ =	shalt  }
0x6c: {  	_ =	shalt  }
0x6d: {  	_ =	shalt  }
0x6e: {  	_ =	shalt  }
0x6f: {  	_ =	shalt  }
0x70: {  	_ =	shalt  }
0x71: {  	_ =	shalt  }
0x72: {  	_ =	shalt  }
0x73: {  	_ =	shalt  }
0x74: {  	_ =	shalt  }
0x75: {  	_ =	shalt  }
0x76: {  	_ =	shalt  }
0x77: {  	_ =	shalt  }
0x78: {  	_ =	shalt  }
0x79: {  	_ =	shalt  }
0x7a: {  	_ =	shalt  }
0x7b: {  	_ =	shalt  }
0x7c: {  	_ =	shalt  }
0x7d: {  	_ =	shalt  }
0x7e: {  	_ =	shalt  }
0x7f: {  	_ =	shalt  }
0x80: {  	_ =	shalt  }
0x81: {  	_ =	shalt  }
0x82: {  	_ =	shalt  }
0x83: {  	_ =	shalt  }
0x84: {  	_ =	shalt  }
0x85: {  	_ =	shalt  }
0x86: {  	_ =	shalt  }
0x87: {  	_ =	shalt  }
.Lfunc_end0:
.L_simem_size_0:
called_computation_lowered:
.L_overlay_start_0:
0x88: {  	s2 =	sld [smem:$0x3FD9]  }
0x89: {  	s3 =	sld [smem:$0x3FFE];
	_ =	sdelay $0x1  }
0x8a: {  	s1 =	srdreg.scid  }
0x8b: {  	s0 =	sand.u32 $0x1, s1  }
0x8c: {  	s17 =	sshll.u32 s0, $0xA;
	s2 =	sadd.s32 s3, s2  }
0x8d: {  	s2 =	sadd.s32 s2, s17  }
0x8e: {  	[smem:$0x3FC4] =	sst s2  }
0x8f: {  	_ = 	snop  }
0x90: {  	s2 =	sld [smem:$0x3FC8];
	(tm) =	ssettm $0x1  }
0x91: {  	s18 =	sld [smem:$0x3FFB];
	_ =	sdelay $0x3  }
0x92: {  	_ =	strace s18  }
0x93: {  	s3 =	sld [smem:$0x3FFC];
	_ =	sdelay $0x3  }
0x94: {  	_ =	strace s3  }
0x95: {  	s3 =	sld [smem:$0x3FFD];
	_ =	sdelay $0x3  }
0x96: {  	_ =	strace s3  }
0x97: {  	_ =	strace $0x8FFFFFFF  }
0x98: {  	s19 =	sld [smem:$0x3FDB];
	_ =	sdelay $0x1  }
0x99: {  	s4 =	simm.s32 $_scs_section_size  }
0x9a: {  	s5 =	simm.s32 $_size__tile_overlayer_lowered;
	s6 =	simm.s32 $_tile_overlayer_lowered  }
0x9b: {  	s22 =	simm.s32 $0x1BFF;
	s21 =	sshll.u32 s6, $0x1;
	s3 =	sadd.s32 s4, s19  }
0x9c: {  	s7 =	simm.s32 $0x0;
	s20 =	sshll.u32 s5, $0x1;
	s5 =	sadd.s32 s21, s3  }
0x9d: {  	[timem:s7], [sflag:s22] =	dma.local [hbm:s5], s20  }
0x9e: {  	_ =	swait.ge [sflag:s22], s20  }
0x9f: {  	s4 =	ssub.s32 $0x0, s20;
	[sflag:s22] =	ssyncset.done $0x0  }
0xa0: {  	[sflag:s22] =	ssyncadd.s32 s4;
	_ =	sdelay $0x1  }
0xa1: {  	s23 =	simm.s32 $0x1B8B  }
0xa2: {  	_ =	swait.ge [sflag:s23], $0x1  }
0xa3: {  	[sflag:s23] =	ssyncset.done $0x0  }
0xa4: {  	s25 =	simm.s32 $0x1B8E;
	s24 =	sld [smem:$0x3FFE];
	[sflag:s23] =	ssyncadd.s32 $0xFFFFFFFF  }
0xa5: {  	s26 =	simm.s32 $execute0_lowered;
	[smem:$0x3FD2] =	sst s25  }
0xa6: {  	s5 =	sshll.u32 s26, $0x1;
	_ =	strace $0x80000046;
	[dreg:$0x1] =	wrdreg $0xFFFFFFFF  }
0xa7: {  	s28 =	simm.s32 $_size_execute0_lowered;
	s3 =	sadd.s32 s3, s5;
	[dreg:$0x0] =	wrdreg $0x0  }
0xa8: {  	s5 =	sshll.u32 s28, $0x1;
	[dreg:$0x2] =	wrdreg s3  }
0xa9: {  	[dreg:$0x3] =	wrdreg s5  }
0xaa: {  	[dreg:$0x4] =	wrdreg $0xC0  }
0xab: {  	_ =	task [dreg:s7], $0x5FFFF  }
0xac: {  	[dreg:$0x1] =	wrdreg $0xFFFFFFFF  }
0xad: {  	[dreg:$0x0] =	wrdreg $0x60  }
0xae: {  	[dreg:$0x2] =	wrdreg s2  }
0xaf: {  	[dreg:$0x3] =	wrdreg s24  }
0xb0: {  	[dreg:$0x4] =	wrdreg $0x9  }
0xb1: {  	_ =	task.clear_ibuf [dreg:s7], $0x5FFFF;
	_ =	strace $0x90000046  }
0xb2: {  	s29 =	simm.s32 $0x9;
	_ =	strace $0x80000048  }
0xb3: {  	_ =	swait.ge [sflag:s29], $0x1  }
0xb4: {  	[sflag:s29] =	ssyncadd.s32 $0xFFFFFFFF  }
0xb5: {  	_ =	strace $0x90000048  }
0xb6: {  	_ =	sfence  }
0xb7: {  	s30 =	sld [smem:$0x0];
	_ =	sdelay $0x2  }
0xb8: {  	s31 =	sshll.u32 s1, $0xD;
	s1 =	sshrl.u32 s1, $0x2  }
0xb9: {  	s3 =	sand.u32 $0x4000, s31;
	s1 =	sadd.s32 s1, s30  }
0xba: {  	s0 =	sor.u32 s3, s0;
	s1 =	sshll.u32 s1, $0x11  }
0xbb: {  	s0 =	sor.u32 s1, s0  }
0xbc: {  	s0 =	sadd.s32 $0x8F2B, s0  }
0xbd: {  	[sflag:s0] =	ssyncadd.remote.s32 $0x1  }
0xbe: {  	_ =	sfence.sel $0xFFFF  }
0xbf: {  	[dreg:$0x0] =	wrdreg $0xFFFFFFFF;
	(pc) =	sbr.abs _section_cstart, $3  }
0xc0: {  	[dreg:$0x1] =	wrdreg $0xFFFFFFFF  }
0xc1: {  	_ =	task.clear_ibuf [dreg:s7], $0x2FFFF;
	_ =	strace $0x9FFFFFFF  }
0xc2: {  	(tm) =	ssettm $0x7FFFFFFF  }
0xc3: {  	_ =	shalt  }
tec
execute0_lowered:
.L_overlay_start_1:
0x0: {  	(tag) =	ssettag $0x1  }
0x1: {  	s1 =	rddreg [dreg:$0x0]  }
0x2: {  	s0 =	rddreg [dreg:$0x1];
	s3 =	simm.s32 $0x0  }
0x3: {  	s2 =	srdreg.scid;
	s9 =	stileid.u32;
	s29 =	simm.s32 $0x1000  }
0x4: {  	s30 =	simm.s32 $0x1400;
	s31 =	simm.s32 $0x1800;
	[smem:$0x7FF] =	sst s3  }
0x5: {  	s2 =	sand.u32 $0x1, s2;
	s4 =	sshll.u32 s9, $0x1;
	s5 =	sadd.s32 $0x1400, s0  }
0x6: {  	p1 =	sgt.u32 s9, $0x1;
	_ =	strace $0x80000047;
	s4 =	sor.u32 s2, s4  }
0x7: {  	[dreg:$0x3] =	wrdreg s5;
	s2 =	ssub.s32 $0x2, s2;
	s5 =	sadd.s32 $0x1600, s0  }
0x8: {  	s7 =	sshll.u32 s4, $0xA;
	s6 =	sshrl.u32 s2, $0x1;
	s18 =	sshll.u32 s4, $0x7  }
0x9: {  	s22 =	sor.u32 $0x1E80, s4;
	s17 =	sshll.u32 s4, $0x9;
	p0 =	sne.s32 s4, $0x4  }
0xa: {  	s8 =	sshrl.u32 s7, $0x3;
	s2 =	ssub.s32 s2, s6;
	s6 =	sadd.s32 s1, s18  }
0xb: {  	s14 =	sor.u32 $0x10000, s7;
	s18 =	sshll.u32 s22, $0x7;
	s15 =	sor.u32 $0x18000, s7  }
0xc: {  	s16 =	sadd.s32 s5, s17;
	s26 =	sshll.u32 s22, $0x9;
	s22 =	sadd.s32 $0x3D1E00, s0  }
0xd: {  	s0 =	simm.s32 $0x1C00;
	s8 =	sadd.s32 s1, s8;
	s21 =	sadd.s32 $0x1000, s6  }
0xe: {  	s23 =	sadd.s32 s1, s18;
	s7 =	sadd.s32 s5, s26;
	[dreg:$0x7] =	wrdreg s21  }
0xf: {  	s18 =	simm.s32 $0x2000;
	s10 =	sadd.s32 $0x1E8500, s8;
	[dreg:$0x8] =	wrdreg s23  }
0x10: {  	s19 =	sadd.s32 $0x2DC780, s8;
	s20 =	sadd.s32 $0xF4280, s8;
	[dreg:$0xc] =	wrdreg s7  }
0x11: {  	s11 =	sadd.s32 $0x1E9500, s8;
	s12 =	sadd.s32 $0xF5280, s8;
	[dreg:$0x4] =	wrdreg s10  }
0x12: {  	v0 =	vlaneseq.u32;
	s13 =	sadd.s32 $0x2DD780, s8;
	s24 =	sadd.s32 $0xF4280, s23;
	[dreg:$0x5] =	wrdreg s19  }
.Ltmp0:
0x13: {  	v1 =	vmul.u32 $0x20, v0;
	v2 =	vor.u32 $0x10, v0;
	v4 =	vor.u32 $0x20, v0;
	s25 =	sadd.s32 $0x1E8500, s23;
	[dreg:$0x6] =	wrdreg s20;
	(pc) =	sbr.rel .LBB2_1-.Ltmp0, $4  }
0x14: {  	v6 =	vor.u32 $0x30, v0;
	v8 =	vor.u32 $0x40, v0;
	v10 =	vor.u32 $0x50, v0;
	s28 =	sadd.s32 $0x2DC780, s23;
	s23 =	smax.u32 s2, $0x1;
	[dreg:$0x9] =	wrdreg s24  }
0x15: {  	v12 =	vor.u32 $0x60, v0;
	v14 =	vor.u32 $0x70, v0;
	v3 =	vor.u32 $0x200, v1;
	s2 =	simm.s32 $0x1;
	s21 =	simm.s32 $0x3;
	[dreg:$0xa] =	wrdreg s25  }
0x16: {  	v5 =	vor.u32 $0x400, v1;
	v7 =	vor.u32 $0x600, v1;
	v9 =	vor.u32 $0x800, v1;
	[dreg:$0xb] =	wrdreg s28;
	s24 =	sor.u32 $0x4000, s17;
	s19 =	simm.s32 $0x2  }
0x17: {  	v11 =	vor.u32 $0xA00, v1;
	v13 =	vor.u32 $0xC00, v1;
	v15 =	vor.u32 $0xE00, v1;
	s20 =	simm.s32 $0x3000;
	s17 =	simm.s32 $0x4;
	s25 =	simm.s32 $0x0  }
.LBB2_12:
0x18: {  	s4 =	simm.s32 @!p0 $0x0;
	s7 =	simm.s32 @!p0 $0x2000;
	s8 =	rddreg [dreg:$0x3]  }
0x19: {  	[tilespmem:s7], [sflag:$0x5] =	stream.linear.gather @!p0 [hbm4b:s8+s4], $0x800, $0x38;
	[tilespmem:$0x4000] =	vst v63  }
0x1a: {  	s8 =	simm.s32 @!p0 $0x5  }
0x1b: {  	s25 =	sadd.s32 $0x1, s25;
	_ =	swait.ge @!p0 [sflag:s8], $0x800  }
0x1c: {  	p2 =	sne.s32 s25, s23;
	[sflag:s8] =	ssyncset.done @!p0 $0x0  }
.Ltmp1:
0x1d: {  	[sflag:s8] =	ssyncadd.s32 @!p0 $0xFFFFF800;
	(pc) =	sbr.rel @!p2 .LBB2_13-.Ltmp1, $4  }
0x1e: {  	[hbm4b:s22+s4] =	stream.linear.scatter @!p0 [tilespmem:s7], [sflag:$0x5], $0x800, $0x38;
	[tilespmem:$0x4000] =	vst v63  }
0x1f: {  	_ =	swait.ge @!p0 [sflag:s8], $0x800  }
0x20: {  	[sflag:s8] =	ssyncset.done @!p0 $0x0  }
0x21: {  	[sflag:s8] =	ssyncadd.s32 @!p0 $0xFFFFF800  }
.LBB2_1:
0x22: {  	[tilespmem:s3], [sflag:$0x1] =	stream.linear.gather [hbm4b:s6+s3], $0x400, $0x38;
	[tilespmem:$0x4000] =	vst v63  }
0x23: {  	s4 =	rddreg [dreg:$0x6];
	s7 =	simm.s32 $0x400  }
0x24: {  	[tilespmem:s7], [sflag:$0x1] =	stream.linear.gather [hbm4b:s4+s3], $0x400, $0x38;
	[tilespmem:$0x4000] =	vst v63  }
0x25: {  	s8 =	rddreg [dreg:$0x4];
	s9 =	simm.s32 $0x800  }
0x26: {  	[tilespmem:s9], [sflag:$0x1] =	stream.linear.gather [hbm4b:s8+s3], $0x400, $0x38;
	[tilespmem:$0x4000] =	vst v63  }
0x27: {  	s10 =	rddreg [dreg:$0x5];
	s26 =	simm.s32 $0xC00  }
0x28: {  	[tilespmem:s26], [sflag:$0x1] =	stream.linear.gather [hbm4b:s10+s3], $0x400, $0x38;
	[tilespmem:$0x4000] =	vst v63  }
0x29: {  	s28 =	rddreg [dreg:$0x7]  }
0x2a: {  	[tilespmem:s29], [sflag:$0x2] =	stream.linear.gather [hbm4b:s28+s3], $0x400, $0x38;
	[tilespmem:$0x4000] =	vst v63  }
0x2b: {  	_ = 	snop  }
0x2c: {  	[tilespmem:s30], [sflag:$0x2] =	stream.linear.gather [hbm4b:s12+s3], $0x400, $0x38;
	[tilespmem:$0x4000] =	vst v63  }
0x2d: {  	_ = 	snop  }
0x2e: {  	[tilespmem:s31], [sflag:$0x2] =	stream.linear.gather [hbm4b:s11+s3], $0x400, $0x38;
	[tilespmem:$0x4000] =	vst v63  }
0x2f: {  	s26 =	simm.s32 $0x0  }
0x30: {  	[tilespmem:s0], [sflag:$0x2] =	stream.linear.gather [hbm4b:s13+s3], $0x400, $0x38;
	[tilespmem:$0x4000] =	vst v63  }
.LBB2_2:
0x31: {  	_ =	swait.ge [sflag:s2], $0x400  }
0x32: {  	[sflag:s2] =	ssyncset.done $0x0  }
0x33: {  	[sflag:s2] =	ssyncadd.s32 $0xFFFFFC00  }
0x34: {  	_ =	swait.ge [sflag:s2], $0x400  }
0x35: {  	[sflag:s2] =	ssyncset.done $0x0  }
0x36: {  	[sflag:s2] =	ssyncadd.s32 $0xFFFFFC00  }
0x37: {  	s4 =	simm.s32 $0x0;
	_ =	swait.ge [sflag:s2], $0x400  }
0x38: {  	v16 =	vadd.s32 s4, v0;
	[sflag:s2] =	ssyncset.done $0x0  }
0x39: {  	v21 =	vand.u32 $0x1F, v16;
	[sflag:s2] =	ssyncadd.s32 $0xFFFFFC00  }
0x3a: {  	v16 =	vshll.u32 v21, $0x7;
	_ =	swait.ge [sflag:s2], $0x400  }
0x3b: {  	p2 =	seq.s32 s26, $0x0;
	v18 =	vor.u32 v0, v16;
	[sflag:s2] =	ssyncset.done $0x0  }
0x3c: {  	s4 =	simm.s32 @!p2 $0x3;
	v20 =	vor.u32 v14, v16;
	[sflag:s2] =	ssyncadd.s32 $0xFFFFFC00  }
0x3d: {  	v23 =	vor.u32 v2, v16;
	_ =	swait.ge @!p2 [sflag:s4], $0x1000  }
0x3e: {  	v25 =	vor.u32 v12, v16;
	[sflag:s4] =	ssyncset.done @!p2 $0x0  }
0x3f: {  	v17 =	vor.u32 v7, v21;
	v30 =	vor.u32 v8, v16;
	[sflag:s4] =	ssyncadd.s32 @!p2 $0xFFFFF000  }
0x40: {  	v31 =	vor.u32 v1, v21;
	v34 =	vor.u32 v15, v21;
	v32 =	vor.u32 v6, v16;
	s4 =	simm.s32 $0x1;
	v26 =	vld.idx.msk [tilespmem:v18+s3+$0x0], $0xffff  }
0x41: {  	v35 =	vor.u32 v3, v21;
	v19 =	vor.u32 v4, v16;
	v24 =	vadd.s32 s4, v0;
	v27 =	vld.idx.msk [tilespmem:v20+s3+$0x0], $0xffff  }
0x42: {  	v22 =	vor.u32 v10, v16;
	v16 =	vor.u32 v5, v21;
	v28 =	vld.idx.msk [tilespmem:v23+s3+$0x0], $0xffff;
	v24 =	vand.u32 $0x1F, v24  }
0x43: {  	v18 =	vor.u32 v11, v21;
	v20 =	vor.u32 v9, v21;
	v29 =	vld.idx.msk [tilespmem:v25+s3+$0x0], $0xffff;
	v33 =	vshll.u32 v24, $0x7  }
0x44: {  	v23 =	vor.u32 v13, v21;
	v30 =	vld.idx.msk [tilespmem:v30+s3+$0x0], $0xffff;
	v36 =	vor.u32 v0, v33;
	v25 =	vor.u32 v2, v33  }
0x45: {  	s28 =	sshll.u32 s26, $0x10;
	s7 =	simm.s32 $0x8;
	v32 =	vld.idx.msk [tilespmem:v32+s3+$0x0], $0xffff;
	v38 =	vor.u32 v4, v33;
	v21 =	vor.u32 v6, v33;
	v37 =	vor.u32 v14, v33  }
.LBB2_3:
0x46: {  	v39 =	vor.u32 v8, v33;
	v40 =	vor.u32 v10, v33  }
0x47: {  	s7 =	sadd.s32 $0x8, s7;
	[tilespmem:v31+s18+$0x0] =	vst.idx.msk $0xffff, v26;
	v41 =	vld.idx.msk [tilespmem:v19+s3+$0x0], $0xffff;
	v42 =	vmov v18;
	v43 =	vmov v24;
	v19 =	vmov v38  }
0x48: {  	v44 =	vor.u32 v12, v33;
	p3 =	slt.u32 s7, $0xF8;
	v38 =	vor.u32 v7, v43;
	v45 =	vld.idx.msk [tilespmem:v22+s3+$0x0], $0xffff;
	[tilespmem:v34+s18+$0x0] =	vst.idx.msk $0xffff, v27  }
0x49: {  	v46 =	vor.u32 v5, v43;
	v18 =	vor.u32 v11, v43;
	v22 =	vmov v40;
	[tilespmem:v35+s18+$0x0] =	vst.idx.msk $0xffff, v28  }
0x4a: {  	s4 =	sadd.s32 $0x1, s4;
	v31 =	vor.u32 v1, v43;
	v24 =	vor.u32 v9, v43;
	v26 =	vld.idx.msk [tilespmem:v36+s3+$0x0], $0xffff;
	[tilespmem:v23+s18+$0x0] =	vst.idx.msk $0xffff, v29  }
.Ltmp2:
0x4b: {  	v28 =	vadd.s32 s4, v0;
	v23 =	vor.u32 v13, v43;
	v27 =	vld.idx.msk [tilespmem:v37+s3+$0x0], $0xffff;
	[tilespmem:v20+s18+$0x0] =	vst.idx.msk $0xffff, v30;
	v20 =	vmov v24;
	(pc) =	sbr.rel @p3 .LBB2_3-.Ltmp2, $4  }
0x4c: {  	v34 =	vor.u32 v15, v43;
	v24 =	vand.u32 $0x1F, v28;
	v28 =	vld.idx.msk [tilespmem:v25+s3+$0x0], $0xffff;
	[tilespmem:v17+s18+$0x0] =	vst.idx.msk $0xffff, v32;
	v17 =	vmov v38  }
0x4d: {  	v35 =	vor.u32 v3, v43;
	v33 =	vshll.u32 v24, $0x7;
	v29 =	vld.idx.msk [tilespmem:v44+s3+$0x0], $0xffff;
	[tilespmem:v16+s18+$0x0] =	vst.idx.msk $0xffff, v41;
	v16 =	vmov v46  }
0x4e: {  	v36 =	vor.u32 v0, v33;
	v25 =	vor.u32 v2, v33;
	v30 =	vld.idx.msk [tilespmem:v39+s3+$0x0], $0xffff;
	[tilespmem:v42+s18+$0x0] =	vst.idx.msk $0xffff, v45  }
0x4f: {  	v38 =	vor.u32 v4, v33;
	v37 =	vor.u32 v14, v33;
	v32 =	vld.idx.msk [tilespmem:v21+s3+$0x0], $0xffff;
	v21 =	vor.u32 v6, v33  }
0x50: {  	_ =	sdelay $0x3  }
0x51: {  	[tilespmem:v31+s18+$0x0] =	vst.idx.msk $0xffff, v26  }
0x52: {  	v19 =	vld.idx.msk [tilespmem:v19+s3+$0x0], $0xffff;
	v26 =	vor.u32 v12, v33;
	[tilespmem:v34+s18+$0x0] =	vst.idx.msk $0xffff, v27  }
0x53: {  	v27 =	vor.u32 v8, v33;
	v22 =	vld.idx.msk [tilespmem:v22+s3+$0x0], $0xffff;
	[tilespmem:v35+s18+$0x0] =	vst.idx.msk $0xffff, v28  }
0x54: {  	v31 =	vor.u32 v1, v24;
	v28 =	vld.idx.msk [tilespmem:v36+s3+$0x0], $0xffff;
	[tilespmem:v23+s18+$0x0] =	vst.idx.msk $0xffff, v29  }
0x55: {  	v23 =	vld.idx.msk [tilespmem:v37+s3+$0x0], $0xffff;
	[tilespmem:v20+s18+$0x0] =	vst.idx.msk $0xffff, v30;
	v20 =	vor.u32 v15, v24  }
0x56: {  	v25 =	vld.idx.msk [tilespmem:v25+s3+$0x0], $0xffff;
	v29 =	vor.u32 v10, v33;
	[tilespmem:v17+s18+$0x0] =	vst.idx.msk $0xffff, v32;
	v17 =	vor.u32 v3, v24  }
0x57: {  	v30 =	vor.u32 v13, v24;
	v26 =	vld.idx.msk [tilespmem:v26+s3+$0x0], $0xffff;
	[tilespmem:v16+s18+$0x0] =	vst.idx.msk $0xffff, v19  }
0x58: {  	v16 =	vor.u32 v9, v24;
	v19 =	vld.idx.msk [tilespmem:v27+s3+$0x0], $0xffff;
	[tilespmem:v18+s18+$0x0] =	vst.idx.msk $0xffff, v22  }
0x59: {  	v21 =	vld.idx.msk [tilespmem:v21+s3+$0x0], $0xffff;
	v18 =	vor.u32 v7, v24;
	[tilespmem:v31+s18+$0x0] =	vst.idx.msk $0xffff, v28  }
0x5a: {  	v22 =	vor.u32 v5, v24;
	v27 =	vld.idx.msk [tilespmem:v38+s3+$0x0], $0xffff;
	[tilespmem:v20+s18+$0x0] =	vst.idx.msk $0xffff, v23  }
0x5b: {  	v20 =	vor.u32 v11, v24;
	v23 =	vld.idx.msk [tilespmem:v29+s3+$0x0], $0xffff;
	[tilespmem:v17+s18+$0x0] =	vst.idx.msk $0xffff, v25  }
0x5c: {  	[tilespmem:v30+s18+$0x0] =	vst.idx.msk $0xffff, v26  }
0x5d: {  	[tilespmem:v16+s18+$0x0] =	vst.idx.msk $0xffff, v19  }
0x5e: {  	[tilespmem:v18+s18+$0x0] =	vst.idx.msk $0xffff, v21  }
0x5f: {  	s4 =	sshll.u32 s26, $0xF;
	[tilespmem:v22+s18+$0x0] =	vst.idx.msk $0xffff, v27  }
0x60: {  	p3 =	seq.s32 s26, $0x79;
	s7 =	sadd.s32 s4, s16;
	[tilespmem:v20+s18+$0x0] =	vst.idx.msk $0xffff, v23  }
0x61: {  	[hbm4b:s7+s3] =	stream.linear.scatter [tilespmem:s18], [sflag:$0x3], $0x1000, $0x38;
	[tilespmem:$0x4000] =	vst v63  }
0x62: {  	s7 =	sadd.s32 @!p3 s14, s28  }
0x63: {  	s7 =	sshrl.u32 @!p3 s7, $0x3  }
0x64: {  	s8 =	simm.s32 @!p3 $0x0;
	s7 =	sadd.s32 @!p3 s1, s7  }
0x65: {  	[tilespmem:s8], [sflag:$0x1] =	stream.linear.gather @!p3 [hbm4b:s7+s8], $0x400, $0x38;
	[tilespmem:$0x4000] =	vst v63  }
0x66: {  	s10 =	simm.s32 @!p3 $0x400;
	s9 =	sadd.s32 @!p3 $0xF4280, s7  }
0x67: {  	[tilespmem:s10], [sflag:$0x1] =	stream.linear.gather @!p3 [hbm4b:s9+s8], $0x400, $0x38;
	[tilespmem:$0x4000] =	vst v63  }
0x68: {  	s9 =	sadd.s32 @!p3 $0x1E8500, s7;
	s10 =	simm.s32 @!p3 $0x800  }
0x69: {  	[tilespmem:s10], [sflag:$0x1] =	stream.linear.gather @!p3 [hbm4b:s9+s8], $0x400, $0x38;
	[tilespmem:$0x4000] =	vst v63  }
0x6a: {  	s7 =	sadd.s32 @!p3 $0x2DC780, s7;
	s9 =	simm.s32 @!p3 $0xC00  }
0x6b: {  	[tilespmem:s9], [sflag:$0x1] =	stream.linear.gather @!p3 [hbm4b:s7+s8], $0x400, $0x38;
	[tilespmem:$0x4000] =	vst v63  }
0x6c: {  	_ =	swait.ge [sflag:s19], $0x400  }
0x6d: {  	[sflag:s19] =	ssyncset.done $0x0  }
0x6e: {  	[sflag:s19] =	ssyncadd.s32 $0xFFFFFC00  }
0x6f: {  	_ =	swait.ge [sflag:s19], $0x400  }
0x70: {  	[sflag:s19] =	ssyncset.done $0x0  }
0x71: {  	[sflag:s19] =	ssyncadd.s32 $0xFFFFFC00  }
0x72: {  	s10 =	simm.s32 $0x0;
	_ =	swait.ge [sflag:s19], $0x400  }
0x73: {  	v16 =	vadd.s32 s10, v0;
	[sflag:s19] =	ssyncset.done $0x0  }
0x74: {  	v21 =	vand.u32 $0x1F, v16;
	[sflag:s19] =	ssyncadd.s32 $0xFFFFFC00  }
0x75: {  	v16 =	vshll.u32 v21, $0x7;
	_ =	swait.ge [sflag:s19], $0x400  }
0x76: {  	v18 =	vor.u32 v0, v16;
	[sflag:s19] =	ssyncset.done $0x0  }
0x77: {  	s7 =	simm.s32 @!p2 $0x4;
	v20 =	vor.u32 v14, v16;
	[sflag:s19] =	ssyncadd.s32 $0xFFFFFC00  }
0x78: {  	v23 =	vor.u32 v2, v16;
	_ =	swait.ge @!p2 [sflag:s7], $0x1000  }
0x79: {  	v25 =	vor.u32 v12, v16;
	[sflag:s7] =	ssyncset.done @!p2 $0x0  }
0x7a: {  	v17 =	vor.u32 v7, v21;
	v30 =	vor.u32 v8, v16;
	[sflag:s7] =	ssyncadd.s32 @!p2 $0xFFFFF000  }
0x7b: {  	v32 =	vor.u32 v1, v21;
	v34 =	vor.u32 v15, v21;
	v31 =	vor.u32 v6, v16;
	s7 =	simm.s32 $0x1;
	v26 =	vld.idx.msk [tilespmem:v18+s29+$0x0], $0xffff  }
0x7c: {  	v35 =	vor.u32 v3, v21;
	v19 =	vor.u32 v4, v16;
	v24 =	vadd.s32 s7, v0;
	v27 =	vld.idx.msk [tilespmem:v20+s29+$0x0], $0xffff  }
0x7d: {  	v22 =	vor.u32 v10, v16;
	v16 =	vor.u32 v5, v21;
	v28 =	vld.idx.msk [tilespmem:v23+s29+$0x0], $0xffff;
	v24 =	vand.u32 $0x1F, v24  }
0x7e: {  	v18 =	vor.u32 v11, v21;
	v20 =	vor.u32 v9, v21;
	v29 =	vld.idx.msk [tilespmem:v25+s29+$0x0], $0xffff;
	v33 =	vshll.u32 v24, $0x7  }
0x7f: {  	v23 =	vor.u32 v13, v21;
	v30 =	vld.idx.msk [tilespmem:v30+s29+$0x0], $0xffff;
	v36 =	vor.u32 v0, v33;
	v25 =	vor.u32 v2, v33  }
0x80: {  	s8 =	simm.s32 $0x8;
	v31 =	vld.idx.msk [tilespmem:v31+s29+$0x0], $0xffff;
	v38 =	vor.u32 v4, v33;
	v21 =	vor.u32 v6, v33;
	v37 =	vor.u32 v14, v33  }
.LBB2_5:
0x81: {  	v39 =	vor.u32 v8, v33;
	v40 =	vor.u32 v10, v33  }
0x82: {  	s8 =	sadd.s32 $0x8, s8;
	[tilespmem:v32+s20+$0x0] =	vst.idx.msk $0xffff, v26;
	v41 =	vld.idx.msk [tilespmem:v19+s29+$0x0], $0xffff;
	v42 =	vmov v18;
	v43 =	vmov v24;
	v19 =	vmov v38  }
0x83: {  	v44 =	vor.u32 v12, v33;
	p2 =	slt.u32 s8, $0xF8;
	v38 =	vor.u32 v7, v43;
	v45 =	vld.idx.msk [tilespmem:v22+s29+$0x0], $0xffff;
	[tilespmem:v34+s20+$0x0] =	vst.idx.msk $0xffff, v27  }
0x84: {  	v46 =	vor.u32 v5, v43;
	v18 =	vor.u32 v11, v43;
	v22 =	vmov v40;
	[tilespmem:v35+s20+$0x0] =	vst.idx.msk $0xffff, v28  }
0x85: {  	s7 =	sadd.s32 $0x1, s7;
	v32 =	vor.u32 v1, v43;
	v24 =	vor.u32 v9, v43;
	v26 =	vld.idx.msk [tilespmem:v36+s29+$0x0], $0xffff;
	[tilespmem:v23+s20+$0x0] =	vst.idx.msk $0xffff, v29  }
.Ltmp3:
0x86: {  	v28 =	vadd.s32 s7, v0;
	v23 =	vor.u32 v13, v43;
	v27 =	vld.idx.msk [tilespmem:v37+s29+$0x0], $0xffff;
	[tilespmem:v20+s20+$0x0] =	vst.idx.msk $0xffff, v30;
	v20 =	vmov v24;
	(pc) =	sbr.rel @p2 .LBB2_5-.Ltmp3, $4  }
0x87: {  	v34 =	vor.u32 v15, v43;
	v24 =	vand.u32 $0x1F, v28;
	v28 =	vld.idx.msk [tilespmem:v25+s29+$0x0], $0xffff;
	[tilespmem:v17+s20+$0x0] =	vst.idx.msk $0xffff, v31;
	v17 =	vmov v38  }
0x88: {  	v35 =	vor.u32 v3, v43;
	v33 =	vshll.u32 v24, $0x7;
	v29 =	vld.idx.msk [tilespmem:v44+s29+$0x0], $0xffff;
	[tilespmem:v16+s20+$0x0] =	vst.idx.msk $0xffff, v41;
	v16 =	vmov v46  }
0x89: {  	v36 =	vor.u32 v0, v33;
	v25 =	vor.u32 v2, v33;
	v30 =	vld.idx.msk [tilespmem:v39+s29+$0x0], $0xffff;
	[tilespmem:v42+s20+$0x0] =	vst.idx.msk $0xffff, v45  }
0x8a: {  	v38 =	vor.u32 v4, v33;
	v37 =	vor.u32 v14, v33;
	v31 =	vld.idx.msk [tilespmem:v21+s29+$0x0], $0xffff;
	v21 =	vor.u32 v6, v33  }
0x8b: {  	_ =	sdelay $0x3  }
0x8c: {  	[tilespmem:v32+s20+$0x0] =	vst.idx.msk $0xffff, v26  }
0x8d: {  	v19 =	vld.idx.msk [tilespmem:v19+s29+$0x0], $0xffff;
	[tilespmem:v34+s20+$0x0] =	vst.idx.msk $0xffff, v27  }
0x8e: {  	v22 =	vld.idx.msk [tilespmem:v22+s29+$0x0], $0xffff;
	[tilespmem:v35+s20+$0x0] =	vst.idx.msk $0xffff, v28  }
0x8f: {  	v50 =	vor.u32 v12, v33;
	v52 =	vld.idx.msk [tilespmem:v36+s29+$0x0], $0xffff;
	v53 =	vor.u32 v1, v24;
	[tilespmem:v23+s20+$0x0] =	vst.idx.msk $0xffff, v29  }
0x90: {  	v51 =	vor.u32 v8, v33;
	v54 =	vld.idx.msk [tilespmem:v37+s29+$0x0], $0xffff;
	v55 =	vor.u32 v15, v24;
	[tilespmem:v20+s20+$0x0] =	vst.idx.msk $0xffff, v30  }
0x91: {  	v56 =	vor.u32 v10, v33;
	v59 =	vor.u32 v7, v24;
	v21 =	vld.idx.msk [tilespmem:v21+s29+$0x0], $0xffff;
	[tilespmem:v17+s20+$0x0] =	vst.idx.msk $0xffff, v31  }
0x92: {  	v60 =	vor.u32 v5, v24;
	v61 =	vld.idx.msk [tilespmem:v38+s29+$0x0], $0xffff;
	[tilespmem:v16+s20+$0x0] =	vst.idx.msk $0xffff, v19  }
0x93: {  	v25 =	vld.idx.msk [tilespmem:v25+s29+$0x0], $0xffff;
	v17 =	vor.u32 v3, v24;
	[tilespmem:v18+s20+$0x0] =	vst.idx.msk $0xffff, v22  }
0x94: {  	v57 =	vor.u32 v13, v24;
	v26 =	vld.idx.msk [tilespmem:v50+s29+$0x0], $0xffff;
	[tilespmem:v53+s20+$0x0] =	vst.idx.msk $0xffff, v52  }
0x95: {  	v16 =	vor.u32 v9, v24;
	v58 =	vld.idx.msk [tilespmem:v51+s29+$0x0], $0xffff;
	[tilespmem:v55+s20+$0x0] =	vst.idx.msk $0xffff, v54  }
0x96: {  	v62 =	vor.u32 v11, v24;
	v63 =	vld.idx.msk [tilespmem:v56+s29+$0x0], $0xffff;
	[tilespmem:v59+s20+$0x0] =	vst.idx.msk $0xffff, v21  }
0x97: {  	[tilespmem:v60+s20+$0x0] =	vst.idx.msk $0xffff, v61  }
.Ltmp4:
0x98: {  	[tilespmem:v17+s20+$0x0] =	vst.idx.msk $0xffff, v25;
	(pc) =	sbr.rel @p3 .LBB2_8-.Ltmp4, $4  }
0x99: {  	[tilespmem:v57+s20+$0x0] =	vst.idx.msk $0xffff, v26  }
0x9a: {  	s4 =	sor.u32 s24, s4;
	[tilespmem:v16+s20+$0x0] =	vst.idx.msk $0xffff, v58  }
0x9b: {  	s4 =	sadd.s32 s5, s4;
	[tilespmem:v62+s20+$0x0] =	vst.idx.msk $0xffff, v63  }
0x9c: {  	[hbm4b:s4+s3] =	stream.linear.scatter [tilespmem:s20], [sflag:$0x4], $0x1000, $0x38;
	[tilespmem:$0x4000] =	vst v63  }
0x9d: {  	s4 =	sadd.s32 s15, s28  }
0x9e: {  	s4 =	sshrl.u32 s4, $0x3  }
0x9f: {  	s4 =	sadd.s32 s1, s4  }
0xa0: {  	[tilespmem:s29], [sflag:$0x2] =	stream.linear.gather [hbm4b:s4+s3], $0x400, $0x38;
	[tilespmem:$0x4000] =	vst v63  }
0xa1: {  	s7 =	sadd.s32 $0xF4280, s4  }
0xa2: {  	[tilespmem:s30], [sflag:$0x2] =	stream.linear.gather [hbm4b:s7+s3], $0x400, $0x38;
	[tilespmem:$0x4000] =	vst v63  }
.Ltmp5:
0xa3: {  	_ = 	snop;
	(pc) =	sbr.rel .LBB2_2-.Ltmp5, $4  }
0xa4: {  	s28 =	sadd.s32 $0x1E8500, s4  }
0xa5: {  	[tilespmem:s31], [sflag:$0x2] =	stream.linear.gather [hbm4b:s28+s3], $0x400, $0x38;
	[tilespmem:$0x4000] =	vst v63  }
0xa6: {  	s26 =	sadd.s32 $0x1, s26;
	s4 =	sadd.s32 $0x2DC780, s4  }
0xa7: {  	[tilespmem:s0], [sflag:$0x2] =	stream.linear.gather [hbm4b:s4+s3], $0x400, $0x38;
	[tilespmem:$0x4000] =	vst v63  }
.LBB2_8:
0xa8: {  	_ =	swait.ge [sflag:s21], $0x1000  }
.Ltmp6:
0xa9: {  	[sflag:s21] =	ssyncset.done $0x0;
	(pc) =	sbr.rel @p1 .LBB2_12-.Ltmp6, $4  }
0xaa: {  	[sflag:s21] =	ssyncadd.s32 $0xFFFFF000  }
0xab: {  	_ =	swait.ge [sflag:s17], $0x1000  }
0xac: {  	[sflag:s17] =	ssyncset.done $0x0  }
0xad: {  	[sflag:s17] =	ssyncadd.s32 $0xFFFFF000  }
0xae: {  	s4 =	simm.s32 $0x0;
	s7 =	rddreg [dreg:$0x8]  }
0xaf: {  	[tilespmem:s4], [sflag:$0x1] =	stream.linear.gather [hbm4b:s7+s4], $0x400, $0x38;
	[tilespmem:$0x4000] =	vst v63  }
0xb0: {  	s28 =	rddreg [dreg:$0x9];
	s8 =	simm.s32 $0x400  }
0xb1: {  	[tilespmem:s8], [sflag:$0x1] =	stream.linear.gather [hbm4b:s28+s4], $0x400, $0x38;
	[tilespmem:$0x4000] =	vst v63  }
0xb2: {  	s9 =	rddreg [dreg:$0xa];
	s10 =	simm.s32 $0x800  }
0xb3: {  	[tilespmem:s10], [sflag:$0x1] =	stream.linear.gather [hbm4b:s9+s4], $0x400, $0x38;
	[tilespmem:$0x4000] =	vst v63  }
0xb4: {  	s26 =	rddreg [dreg:$0xb];
	s28 =	simm.s32 $0xC00  }
0xb5: {  	[tilespmem:s28], [sflag:$0x1] =	stream.linear.gather [hbm4b:s26+s4], $0x400, $0x38;
	[tilespmem:$0x4000] =	vst v63  }
0xb6: {  	_ =	swait.ge [sflag:s2], $0x400  }
0xb7: {  	[sflag:s2] =	ssyncset.done $0x0  }
0xb8: {  	[sflag:s2] =	ssyncadd.s32 $0xFFFFFC00  }
0xb9: {  	_ =	swait.ge [sflag:s2], $0x400  }
0xba: {  	v16 =	vadd.s32 s4, v0;
	[sflag:s2] =	ssyncset.done $0x0  }
0xbb: {  	v21 =	vand.u32 $0x1F, v16;
	[sflag:s2] =	ssyncadd.s32 $0xFFFFFC00  }
0xbc: {  	v16 =	vshll.u32 v21, $0x7;
	_ =	swait.ge [sflag:s2], $0x400  }
0xbd: {  	v18 =	vor.u32 v0, v16;
	[sflag:s2] =	ssyncset.done $0x0  }
0xbe: {  	v20 =	vor.u32 v14, v16;
	[sflag:s2] =	ssyncadd.s32 $0xFFFFFC00  }
0xbf: {  	v23 =	vor.u32 v2, v16;
	_ =	swait.ge [sflag:s2], $0x400  }
0xc0: {  	v25 =	vor.u32 v12, v16;
	[sflag:s2] =	ssyncset.done $0x0  }
0xc1: {  	v17 =	vor.u32 v7, v21;
	v30 =	vor.u32 v8, v16;
	s4 =	simm.s32 $0x1;
	[sflag:s2] =	ssyncadd.s32 $0xFFFFFC00  }
0xc2: {  	v32 =	vor.u32 v1, v21;
	v31 =	vor.u32 v6, v16;
	v24 =	vadd.s32 s4, v0;
	v26 =	vld.idx.msk [tilespmem:v18+s3+$0x0], $0xffff  }
0xc3: {  	v34 =	vor.u32 v15, v21;
	v35 =	vor.u32 v3, v21;
	v24 =	vand.u32 $0x1F, v24;
	v27 =	vld.idx.msk [tilespmem:v20+s3+$0x0], $0xffff  }
0xc4: {  	v19 =	vor.u32 v4, v16;
	v22 =	vor.u32 v10, v16;
	v33 =	vshll.u32 v24, $0x7;
	v28 =	vld.idx.msk [tilespmem:v23+s3+$0x0], $0xffff  }
0xc5: {  	v16 =	vor.u32 v5, v21;
	v36 =	vor.u32 v0, v33;
	v38 =	vor.u32 v4, v33;
	v29 =	vld.idx.msk [tilespmem:v25+s3+$0x0], $0xffff  }
0xc6: {  	v37 =	vor.u32 v14, v33;
	v18 =	vor.u32 v11, v21;
	v20 =	vor.u32 v9, v21;
	v30 =	vld.idx.msk [tilespmem:v30+s3+$0x0], $0xffff  }
0xc7: {  	s7 =	simm.s32 $0x8;
	v23 =	vor.u32 v13, v21;
	v25 =	vor.u32 v2, v33;
	v21 =	vor.u32 v6, v33;
	v31 =	vld.idx.msk [tilespmem:v31+s3+$0x0], $0xffff  }
.LBB2_10:
0xc8: {  	v39 =	vor.u32 v8, v33;
	v40 =	vor.u32 v10, v33  }
0xc9: {  	s7 =	sadd.s32 $0x8, s7;
	[tilespmem:v32+s18+$0x0] =	vst.idx.msk $0xffff, v26;
	v41 =	vld.idx.msk [tilespmem:v19+s3+$0x0], $0xffff;
	v42 =	vmov v18;
	v43 =	vmov v24;
	v19 =	vmov v38  }
0xca: {  	v44 =	vor.u32 v12, v33;
	p2 =	slt.u32 s7, $0xF8;
	v38 =	vor.u32 v7, v43;
	v45 =	vld.idx.msk [tilespmem:v22+s3+$0x0], $0xffff;
	[tilespmem:v34+s18+$0x0] =	vst.idx.msk $0xffff, v27  }
0xcb: {  	v46 =	vor.u32 v5, v43;
	v18 =	vor.u32 v11, v43;
	v22 =	vmov v40;
	[tilespmem:v35+s18+$0x0] =	vst.idx.msk $0xffff, v28  }
0xcc: {  	s4 =	sadd.s32 $0x1, s4;
	v32 =	vor.u32 v1, v43;
	v24 =	vor.u32 v9, v43;
	v26 =	vld.idx.msk [tilespmem:v36+s3+$0x0], $0xffff;
	[tilespmem:v23+s18+$0x0] =	vst.idx.msk $0xffff, v29  }
.Ltmp7:
0xcd: {  	v28 =	vadd.s32 s4, v0;
	v23 =	vor.u32 v13, v43;
	v27 =	vld.idx.msk [tilespmem:v37+s3+$0x0], $0xffff;
	[tilespmem:v20+s18+$0x0] =	vst.idx.msk $0xffff, v30;
	v20 =	vmov v24;
	(pc) =	sbr.rel @p2 .LBB2_10-.Ltmp7, $4  }
0xce: {  	v34 =	vor.u32 v15, v43;
	v24 =	vand.u32 $0x1F, v28;
	v28 =	vld.idx.msk [tilespmem:v25+s3+$0x0], $0xffff;
	[tilespmem:v17+s18+$0x0] =	vst.idx.msk $0xffff, v31;
	v17 =	vmov v38  }
0xcf: {  	v35 =	vor.u32 v3, v43;
	v33 =	vshll.u32 v24, $0x7;
	v29 =	vld.idx.msk [tilespmem:v44+s3+$0x0], $0xffff;
	[tilespmem:v16+s18+$0x0] =	vst.idx.msk $0xffff, v41;
	v16 =	vmov v46  }
0xd0: {  	v36 =	vor.u32 v0, v33;
	v25 =	vor.u32 v2, v33;
	v30 =	vld.idx.msk [tilespmem:v39+s3+$0x0], $0xffff;
	[tilespmem:v42+s18+$0x0] =	vst.idx.msk $0xffff, v45  }
0xd1: {  	v38 =	vor.u32 v4, v33;
	v37 =	vor.u32 v14, v33;
	v31 =	vld.idx.msk [tilespmem:v21+s3+$0x0], $0xffff;
	v21 =	vor.u32 v6, v33  }
0xd2: {  	_ =	sdelay $0x3  }
0xd3: {  	[tilespmem:v32+s18+$0x0] =	vst.idx.msk $0xffff, v26  }
0xd4: {  	v19 =	vld.idx.msk [tilespmem:v19+s3+$0x0], $0xffff;
	[tilespmem:v34+s18+$0x0] =	vst.idx.msk $0xffff, v27  }
0xd5: {  	v22 =	vld.idx.msk [tilespmem:v22+s3+$0x0], $0xffff;
	[tilespmem:v35+s18+$0x0] =	vst.idx.msk $0xffff, v28  }
0xd6: {  	v50 =	vor.u32 v12, v33;
	v52 =	vld.idx.msk [tilespmem:v36+s3+$0x0], $0xffff;
	v53 =	vor.u32 v1, v24;
	[tilespmem:v23+s18+$0x0] =	vst.idx.msk $0xffff, v29  }
0xd7: {  	v51 =	vor.u32 v8, v33;
	v54 =	vld.idx.msk [tilespmem:v37+s3+$0x0], $0xffff;
	v55 =	vor.u32 v15, v24;
	[tilespmem:v20+s18+$0x0] =	vst.idx.msk $0xffff, v30  }
0xd8: {  	v56 =	vor.u32 v10, v33;
	v59 =	vor.u32 v7, v24;
	v21 =	vld.idx.msk [tilespmem:v21+s3+$0x0], $0xffff;
	[tilespmem:v17+s18+$0x0] =	vst.idx.msk $0xffff, v31  }
0xd9: {  	v60 =	vor.u32 v5, v24;
	v61 =	vld.idx.msk [tilespmem:v38+s3+$0x0], $0xffff;
	[tilespmem:v16+s18+$0x0] =	vst.idx.msk $0xffff, v19  }
0xda: {  	v25 =	vld.idx.msk [tilespmem:v25+s3+$0x0], $0xffff;
	v17 =	vor.u32 v3, v24;
	[tilespmem:v18+s18+$0x0] =	vst.idx.msk $0xffff, v22  }
0xdb: {  	v57 =	vor.u32 v13, v24;
	v26 =	vld.idx.msk [tilespmem:v50+s3+$0x0], $0xffff;
	[tilespmem:v53+s18+$0x0] =	vst.idx.msk $0xffff, v52  }
0xdc: {  	v16 =	vor.u32 v9, v24;
	v58 =	vld.idx.msk [tilespmem:v51+s3+$0x0], $0xffff;
	[tilespmem:v55+s18+$0x0] =	vst.idx.msk $0xffff, v54  }
0xdd: {  	v62 =	vor.u32 v11, v24;
	v63 =	vld.idx.msk [tilespmem:v56+s3+$0x0], $0xffff;
	[tilespmem:v59+s18+$0x0] =	vst.idx.msk $0xffff, v21  }
0xde: {  	[tilespmem:v60+s18+$0x0] =	vst.idx.msk $0xffff, v61  }
0xdf: {  	[tilespmem:v17+s18+$0x0] =	vst.idx.msk $0xffff, v25  }
0xe0: {  	[tilespmem:v57+s18+$0x0] =	vst.idx.msk $0xffff, v26  }
0xe1: {  	[tilespmem:v16+s18+$0x0] =	vst.idx.msk $0xffff, v58  }
0xe2: {  	[tilespmem:v62+s18+$0x0] =	vst.idx.msk $0xffff, v63  }
.Ltmp8:
0xe3: {  	s4 =	rddreg [dreg:$0xc];
	(pc) =	sbr.rel .LBB2_12-.Ltmp8, $4  }
0xe4: {  	[hbm4b:s4+s3] =	stream.linear.scatter [tilespmem:s18], [sflag:$0x3], $0x1000, $0x38;
	[tilespmem:$0x4000] =	vst v63  }
0xe5: {  	_ =	swait.ge [sflag:s21], $0x1000  }
0xe6: {  	[sflag:s21] =	ssyncset.done $0x0  }
0xe7: {  	[sflag:s21] =	ssyncadd.s32 $0xFFFFF000  }
.LBB2_13:
0xe8: {  	_ =	sfence.sel $0x180000  }
0xe9: {  	[bflag:$0x0] =	sbarrier.arrive $0xFFFF  }
0xea: {  	_ =	strace $0x90000047  }
0xeb: {  	s0 =	stileid.u32;
	[bflag:$0x2] =	sbarrier.arrive $0xFFFF  }
0xec: {  	p0 =	sne.s32 s0, $0x0;
	s0 =	rddreg [dreg:$0x2]  }
0xed: {  	s0 =	sadd.s32 @!p0 $0x100000, s0  }
0xee: {  	[sflag:s0] =	ssyncadd.tile.s32 @!p0 $0x1;
	_ =	shalt  }
.Lfunc_end2:
_tile_overlayer_lowered:
.L_overlay_start_2:
0xef: {  	(tag) =	ssettag $0x2  }
0xf0: {  	s0 =	rddreg [dreg:$0x0];
	s2 =	stileid.u32  }
0xf1: {  	s1 =	rddreg [dreg:$0x1];
	p0 =	sne.s32 s2, $0x0  }
0xf2: {  	s3 =	rddreg [dreg:$0x2];
	[bflag:$0x3] =	sbarrier.arrive $0xFFFF;
	s2 =	simm.s32 @!p0 $0x1C05  }
0xf3: {  	[timem:s3], [sflag:s2] =	dma.local @!p0 [hbm:s0], s1  }
0xf4: {  	s0 =	simm.s32 @!p0 $0x5  }
0xf5: {  	_ =	swait.ge @!p0 [sflag:s0], s1  }
0xf6: {  	s1 =	ssub.s32 @!p0 $0x0, s1;
	[sflag:s0] =	ssyncset.done @!p0 $0x0  }
0xf7: {  	[sflag:s0] =	ssyncadd.s32 @!p0 s1  }
0xf8: {  	[bflag:$0x3] =	sbarrier.arrive $0xFFFF  }
0xf9: {  	_ =	shalt  }

// kernel: kernel.8.cloned.1.call-start
scs
__scs_entry_jumppad:
0x0: {  	(pc) =	sbr.rel $0x88, $3  }
0x1: {  	(tag) =	ssettag $0x0;
	lr =	simm.s32 $0x1  }
0x2: {  	[smem:$0x3F9D] =	sst lr;
	_ =	strace $0xD0000000  }
0x3: {  	_ = 	snop  }
0x4: {  	_ = 	snop  }
0x5: {  	_ = 	snop  }
0x6: {  	_ = 	snop  }
0x7: {  	_ = 	snop  }
__scs_overlays_trampoline_lowered:
0x8: {  	[smem:$0x3FAC] =	sst s0  }
0x9: {  	[smem:$0x3FAD] =	sst s1  }
0xa: {  	[smem:$0x3FAE] =	sst s2  }
0xb: {  	[smem:$0x3FAF] =	sst s3  }
0xc: {  	[smem:$0x3FB0] =	sst s4  }
0xd: {  	[smem:$0x3FB1] =	sst s5  }
0xe: {  	[smem:$0x3FB2] =	sst s6  }
0xf: {  	[smem:$0x3FB3] =	sst s7  }
0x10: {  	[smem:$0x3FB4] =	sst s8  }
0x11: {  	[smem:$0x3FB5] =	sst s9;
	s0 =	simm.s32 @!p0 $0x0  }
0x12: {  	s1 =	sld [smem:$0x3F9B];
	s0 =	simm.s32 @p0 $0x1  }
0x13: {  	[smem:$0x3FB6] =	sst s0;
	s0 =	simm.s32 @!p1 $0x0  }
0x14: {  	s2 =	sld [smem:$0x3F9A];
	s0 =	simm.s32 @p1 $0x1  }
0x15: {  	[smem:$0x3FB7] =	sst s0;
	s0 =	simm.s32 @!p2 $0x0  }
0x16: {  	s3 =	sld [smem:$0x3FDB];
	s0 =	simm.s32 @p2 $0x1  }
0x17: {  	s4 =	simm.s32 $0x1BF5;
	[smem:$0x3FB9] =	sst s0  }
0x18: {  	s0 =	sld [smem:$0x3F9C];
	_ =	swait.ge [sflag:s4], $0x0  }
0x19: {  	s7 =	sld [smem:$0x3F9D]  }
0x1a: {  	s8 =	sadd.s32 $0xFFFFE003, lr  }
0x1b: {  	s9 =	sadd.s32 $0xFFFFFEF7, lr;
	s5 =	simm.s32 $0xFFFFFFFF;
	p2 =	slt.u32 s8, $0xFFFFF086  }
0x1c: {  	p1 =	slt.u32 s9, $0xF7A;
	s5 =	simm.s32 @!p2 $0x0  }
0x1d: {  	s5 =	simm.s32 @p1 $0x1;
	p0 =	seq.s32 s7, s2  }
0x1e: {  	s7 =	smul.u32 @!p0 $0xF7A, s2;
	p2 =	seq.s32 @!p0 s5, $0x0  }
0x1f: {  	s9 =	smul.u32 $0xF7A, s1;
	s8 =	simm.s32 @!p0 $0x1BF5;
	p2 =	por !p2, p0  }
0x20: {  	[sflag:s8] =	ssyncset.s32 @!p0 $0xFFFFF086;
	s6 =	sadd.s32 @!p0 s3, s7;
	s7 =	simm.s32 @!p0 $0x108  }
0x21: {  	s3 =	sadd.s32 s3, s9;
	s6 =	sadd.s32 @!p0 $0x88, s6;
	s7 =	simm.s32 @p2 $0x1082  }
0x22: {  	[simem:s7], [sflag:s8] =	dma.local @!p0 [hbm:s6], $0xF7A  }
0x23: {  	s9 =	sor.u32 $0xD0000000, s2;
	s6 =	simm.s32 $0x108;
	_ =	swait.ge @!p0 [sflag:s8], $0x0  }
0x24: {  	s3 =	sadd.s32 $0x88, s3;
	s6 =	simm.s32 @!p1 $0x1082;
	[sflag:s4] =	ssyncset.s32 $0xFFFFF086  }
0x25: {  	[simem:s6], [sflag:s4] =	dma.local [hbm:s3], $0xF7A  }
0x26: {  	[smem:$0x3F9D] =	sst s1;
	(tag) =	ssettag s2;
	_ =	strace s9  }
0x27: {  	s1 =	sld [smem:$0x3FAD]  }
0x28: {  	s2 =	sld [smem:$0x3FAE]  }
0x29: {  	s4 =	sld [smem:$0x3FB0]  }
0x2a: {  	p0 =	seq.s32 s5, $0x0;
	s5 =	sld [smem:$0x3FB1]  }
0x2b: {  	s6 =	sld [smem:$0x3FB2]  }
0x2c: {  	s7 =	sld [smem:$0x3FB3]  }
0x2d: {  	s3 =	simm.s32 $0x108;
	s8 =	sld [smem:$0x3FB4]  }
0x2e: {  	s3 =	simm.s32 @!p0 $0x1082;
	s9 =	sld [smem:$0x3FB5]  }
0x2f: {  	lr =	sadd.s32 s0, s3;
	s0 =	sld [smem:$0x3FAC]  }
0x30: {  	s3 =	sld [smem:$0x3FAF]  }
0x31: {  	[smem:$0x3FB8] =	sst s10  }
0x32: {  	s10 =	sld [smem:$0x3FB6];
	_ =	sdelay $0x3  }
0x33: {  	p0 =	seq.s32 s10, $0x1;
	s10 =	sld [smem:$0x3FB8];
	_ =	sdelay $0x3  }
0x34: {  	[smem:$0x3FB8] =	sst s10  }
0x35: {  	s10 =	sld [smem:$0x3FB7];
	_ =	sdelay $0x3  }
0x36: {  	p1 =	seq.s32 s10, $0x1;
	s10 =	sld [smem:$0x3FB8];
	_ =	sdelay $0x3  }
0x37: {  	[smem:$0x3FB8] =	sst s10  }
0x38: {  	s10 =	sld [smem:$0x3FB9]  }
0x39: {  	_ = 	snop;
	(pc) =	sbr.ind lr, $3  }
0x3a: {  	_ = 	snop  }
0x3b: {  	_ = 	snop  }
0x3c: {  	p2 =	seq.s32 s10, $0x1;
	s10 =	sld [smem:$0x3FB8]  }
0x3d: {  	_ =	shalt  }
0x3e: {  	_ =	shalt  }
0x3f: {  	_ =	shalt  }
0x40: {  	_ =	shalt  }
0x41: {  	_ =	shalt  }
0x42: {  	_ =	shalt  }
0x43: {  	_ =	shalt  }
0x44: {  	_ =	shalt  }
0x45: {  	_ =	shalt  }
0x46: {  	_ =	shalt  }
0x47: {  	_ =	shalt  }
0x48: {  	_ =	shalt  }
0x49: {  	_ =	shalt  }
0x4a: {  	_ =	shalt  }
0x4b: {  	_ =	shalt  }
0x4c: {  	_ =	shalt  }
0x4d: {  	_ =	shalt  }
0x4e: {  	_ =	shalt  }
0x4f: {  	_ =	shalt  }
0x50: {  	_ =	shalt  }
0x51: {  	_ =	shalt  }
0x52: {  	_ =	shalt  }
0x53: {  	_ =	shalt  }
0x54: {  	_ =	shalt  }
0x55: {  	_ =	shalt  }
0x56: {  	_ =	shalt  }
0x57: {  	_ =	shalt  }
0x58: {  	_ =	shalt  }
0x59: {  	_ =	shalt  }
0x5a: {  	_ =	shalt  }
0x5b: {  	_ =	shalt  }
0x5c: {  	_ =	shalt  }
0x5d: {  	_ =	shalt  }
0x5e: {  	_ =	shalt  }
0x5f: {  	_ =	shalt  }
0x60: {  	_ =	shalt  }
0x61: {  	_ =	shalt  }
0x62: {  	_ =	shalt  }
0x63: {  	_ =	shalt  }
0x64: {  	_ =	shalt  }
0x65: {  	_ =	shalt  }
0x66: {  	_ =	shalt  }
0x67: {  	_ =	shalt  }
0x68: {  	_ =	shalt  }
0x69: {  	_ =	shalt  }
0x6a: {  	_ =	shalt  }
0x6b: {  	_ =	shalt  }
0x6c: {  	_ =	shalt  }
0x6d: {  	_ =	shalt  }
0x6e: {  	_ =	shalt  }
0x6f: {  	_ =	shalt  }
0x70: {  	_ =	shalt  }
0x71: {  	_ =	shalt  }
0x72: {  	_ =	shalt  }
0x73: {  	_ =	shalt  }
0x74: {  	_ =	shalt  }
0x75: {  	_ =	shalt  }
0x76: {  	_ =	shalt  }
0x77: {  	_ =	shalt  }
0x78: {  	_ =	shalt  }
0x79: {  	_ =	shalt  }
0x7a: {  	_ =	shalt  }
0x7b: {  	_ =	shalt  }
0x7c: {  	_ =	shalt  }
0x7d: {  	_ =	shalt  }
0x7e: {  	_ =	shalt  }
0x7f: {  	_ =	shalt  }
0x80: {  	_ =	shalt  }
0x81: {  	_ =	shalt  }
0x82: {  	_ =	shalt  }
0x83: {  	_ =	shalt  }
0x84: {  	_ =	shalt  }
0x85: {  	_ =	shalt  }
0x86: {  	_ =	shalt  }
0x87: {  	_ =	shalt  }
.Lfunc_end0:
.L_simem_size_0:
called_computation.1_lowered:
.L_overlay_start_0:
0x88: {  	s2 =	sld [smem:$0x3FD9]  }
0x89: {  	s3 =	sld [smem:$0x3FFE];
	_ =	sdelay $0x1  }
0x8a: {  	s1 =	srdreg.scid  }
0x8b: {  	s0 =	sand.u32 $0x1, s1  }
0x8c: {  	s17 =	sshll.u32 s0, $0xA;
	s2 =	sadd.s32 s3, s2  }
0x8d: {  	s2 =	sadd.s32 s2, s17  }
0x8e: {  	[smem:$0x3FC4] =	sst s2  }
0x8f: {  	_ = 	snop  }
0x90: {  	s2 =	sld [smem:$0x3FD0];
	(tm) =	ssettm $0x1  }
0x91: {  	s18 =	sld [smem:$0x3FFB];
	_ =	sdelay $0x3  }
0x92: {  	_ =	strace s18  }
0x93: {  	s3 =	sld [smem:$0x3FFC];
	_ =	sdelay $0x3  }
0x94: {  	_ =	strace s3  }
0x95: {  	s3 =	sld [smem:$0x3FFD];
	_ =	sdelay $0x3  }
0x96: {  	_ =	strace s3  }
0x97: {  	_ =	strace $0x8FFFFFFF  }
0x98: {  	s19 =	sld [smem:$0x3FDB];
	_ =	sdelay $0x1  }
0x99: {  	s4 =	simm.s32 $_scs_section_size  }
0x9a: {  	s5 =	simm.s32 $_size__tile_overlayer_lowered;
	s6 =	simm.s32 $_tile_overlayer_lowered  }
0x9b: {  	s22 =	simm.s32 $0x1BFF;
	s21 =	sshll.u32 s6, $0x1;
	s3 =	sadd.s32 s4, s19  }
0x9c: {  	s7 =	simm.s32 $0x0;
	s20 =	sshll.u32 s5, $0x1;
	s5 =	sadd.s32 s21, s3  }
0x9d: {  	[timem:s7], [sflag:s22] =	dma.local [hbm:s5], s20  }
0x9e: {  	_ =	swait.ge [sflag:s22], s20  }
0x9f: {  	s4 =	ssub.s32 $0x0, s20;
	[sflag:s22] =	ssyncset.done $0x0  }
0xa0: {  	[sflag:s22] =	ssyncadd.s32 s4;
	_ =	sdelay $0x1  }
0xa1: {  	s23 =	simm.s32 $0x1B8B  }
0xa2: {  	_ =	swait.ge [sflag:s23], $0x1  }
0xa3: {  	[sflag:s23] =	ssyncset.done $0x0  }
0xa4: {  	s25 =	simm.s32 $0x1B8E;
	s24 =	sld [smem:$0x3FFE];
	[sflag:s23] =	ssyncadd.s32 $0xFFFFFFFF  }
0xa5: {  	s26 =	simm.s32 $execute0_lowered;
	[smem:$0x3FD2] =	sst s25  }
0xa6: {  	s5 =	sshll.u32 s26, $0x1;
	_ =	strace $0x80000049;
	[dreg:$0x1] =	wrdreg $0xFFFFFFFF  }
0xa7: {  	s28 =	simm.s32 $_size_execute0_lowered;
	s3 =	sadd.s32 s3, s5;
	[dreg:$0x0] =	wrdreg $0x0  }
0xa8: {  	s5 =	sshll.u32 s28, $0x1;
	[dreg:$0x2] =	wrdreg s3  }
0xa9: {  	[dreg:$0x3] =	wrdreg s5  }
0xaa: {  	[dreg:$0x4] =	wrdreg $0xC0  }
0xab: {  	_ =	task [dreg:s7], $0x5FFFF  }
0xac: {  	[dreg:$0x1] =	wrdreg $0xFFFFFFFF  }
0xad: {  	[dreg:$0x0] =	wrdreg $0x60  }
0xae: {  	[dreg:$0x2] =	wrdreg s2  }
0xaf: {  	[dreg:$0x3] =	wrdreg s24  }
0xb0: {  	[dreg:$0x4] =	wrdreg $0x9  }
0xb1: {  	_ =	task.clear_ibuf [dreg:s7], $0x5FFFF;
	_ =	strace $0x90000049  }
0xb2: {  	s29 =	simm.s32 $0x9;
	_ =	strace $0x8000004B  }
0xb3: {  	_ =	swait.ge [sflag:s29], $0x1  }
0xb4: {  	[sflag:s29] =	ssyncadd.s32 $0xFFFFFFFF  }
0xb5: {  	_ =	strace $0x9000004B  }
0xb6: {  	_ =	sfence  }
0xb7: {  	s30 =	sld [smem:$0x0];
	_ =	sdelay $0x2  }
0xb8: {  	s31 =	sshll.u32 s1, $0xD;
	s1 =	sshrl.u32 s1, $0x2  }
0xb9: {  	s3 =	sand.u32 $0x4000, s31;
	s1 =	sadd.s32 s1, s30  }
0xba: {  	s0 =	sor.u32 s3, s0;
	s1 =	sshll.u32 s1, $0x11  }
0xbb: {  	s0 =	sor.u32 s1, s0  }
0xbc: {  	s0 =	sadd.s32 $0x8F2B, s0  }
0xbd: {  	[sflag:s0] =	ssyncadd.remote.s32 $0x1  }
0xbe: {  	_ =	sfence.sel $0xFFFF  }
0xbf: {  	[dreg:$0x0] =	wrdreg $0xFFFFFFFF;
	(pc) =	sbr.abs _section_cstart, $3  }
0xc0: {  	[dreg:$0x1] =	wrdreg $0xFFFFFFFF  }
0xc1: {  	_ =	task.clear_ibuf [dreg:s7], $0x2FFFF;
	_ =	strace $0x9FFFFFFF  }
0xc2: {  	(tm) =	ssettm $0x7FFFFFFF  }
0xc3: {  	_ =	shalt  }
tec
execute0_lowered:
.L_overlay_start_1:
0x0: {  	(tag) =	ssettag $0x1  }
0x1: {  	s1 =	srdreg.scid  }
0x2: {  	s0 =	stileid.u32;
	s4 =	rddreg [dreg:$0x0]  }
0x3: {  	s5 =	rddreg [dreg:$0x1];
	s2 =	simm.s32 $0x0;
	s14 =	simm.s32 $0x1  }
0x4: {  	s15 =	simm.s32 $0x2;
	s16 =	simm.s32 $0x3;
	s12 =	smul.u32 $0xC800, s0  }
0x5: {  	s17 =	simm.s32 $0x4;
	s6 =	sand.u32 $0x1, s1;
	s23 =	smul.u32 $0x64000, s0  }
0x6: {  	s18 =	simm.s32 $0x0;
	s21 =	sshll.u32 s0, $0x1;
	s25 =	smul.u32 $0x32000, s6  }
0x7: {  	s1 =	rddreg [dreg:$0x2];
	s3 =	sor.u32 s6, s21;
	s26 =	smul.u32 $0x6400, s6  }
0x8: {  	[smem:$0x7FF] =	sst s2;
	s13 =	sadd.s32 $0x3D2000, s5;
	s7 =	smul.u32 $0x320, s3  }
0x9: {  	_ =	strace $0x8000004A;
	s9 =	ssub.s32 $0x2, s6;
	s8 =	smul.u32 $0x32000, s3  }
0xa: {  	s10 =	smul.u32 $0x6400, s3;
	s3 =	sadd.s32 $0x1600, s5;
	s11 =	sshrl.u32 s9, $0x1  }
0xb: {  	s28 =	sadd.s32 s12, s13;
	s12 =	simm.s32 $0x1900;
	s22 =	ssub.s32 s9, s11  }
0xc: {  	s30 =	sadd.s32 s26, s28;
	s11 =	simm.s32 $0x80;
	s4 =	sadd.s32 s4, s7  }
0xd: {  	s24 =	sshrl.u32 s8, $0x3;
	s5 =	smax.u32 s22, $0x1;
	s8 =	sadd.s32 s25, s23  }
0xe: {  	s29 =	sadd.s32 s10, s13;
	s10 =	simm.s32 $0x5;
	s7 =	sadd.s32 s13, s24  }
0xf: {  	s31 =	sshrl.u32 s8, $0x3;
	s8 =	sadd.s32 $0x200, s30;
	s6 =	sadd.s32 $0x6000, s7  }
0x10: {  	s7 =	sadd.s32 $0x6200, s29;
	s9 =	sadd.s32 s31, s13;
	s13 =	simm.s32 $0x2900  }
.LBB2_1:
0x11: {  	[tilespmem:s2], [sflag:$0x5] =	stream.linear.gather [hbm4b:s4+s2], $0x1900, $0x38;
	[tilespmem:$0x3900] =	vst v63  }
0x12: {  	_ =	swait.ge [sflag:s10], $0x1900  }
0x13: {  	[sflag:s10] =	ssyncset.done $0x0  }
0x14: {  	[sflag:s10] =	ssyncadd.s32 $0xFFFFE700  }
0x15: {  	[tilespmem:s12], [sflag:$0x1] =	stream.indirect.gather [hbm4b:s3+s11], $0x20, s2, s11, $0xb8;
	[tilespmem:$0x3900] =	vst v63  }
0x16: {  	_ = 	snop  }
0x17: {  	[tilespmem:s13], [sflag:$0x2] =	stream.indirect.gather [hbm4b:s3+s11], $0x20, s11, s11, $0xb8;
	[tilespmem:$0x3900] =	vst v63  }
0x18: {  	_ =	swait.ge [sflag:s14], $0x1000  }
0x19: {  	[sflag:s14] =	ssyncset.done $0x0  }
0x1a: {  	s19 =	sadd.s32 $0x0, s9;
	[sflag:s14] =	ssyncadd.s32 $0xFFFFF000  }
0x1b: {  	[hbm4b:s19+s2] =	stream.linear.scatter [tilespmem:s12], [sflag:$0x3], $0x1000, $0x38;
	[tilespmem:$0x3900] =	vst v63  }
0x1c: {  	_ =	swait.ge [sflag:s15], $0x1000  }
0x1d: {  	[sflag:s15] =	ssyncset.done $0x0  }
0x1e: {  	s30 =	sadd.s32 $0x0, s8;
	[sflag:s15] =	ssyncadd.s32 $0xFFFFF000  }
0x1f: {  	[hbm4b:s30+s2] =	stream.linear.scatter [tilespmem:s13], [sflag:$0x4], $0x1000, $0x38;
	[tilespmem:$0x3900] =	vst v63  }
0x20: {  	_ =	swait.ge [sflag:s16], $0x1000  }
0x21: {  	[sflag:s16] =	ssyncset.done $0x0  }
0x22: {  	s31 =	simm.s32 $0x100;
	[sflag:s16] =	ssyncadd.s32 $0xFFFFF000  }
0x23: {  	[tilespmem:s12], [sflag:$0x1] =	stream.indirect.gather [hbm4b:s3+s11], $0x20, s31, s11, $0xb8;
	[tilespmem:$0x3900] =	vst v63  }
0x24: {  	_ =	swait.ge [sflag:s17], $0x1000  }
0x25: {  	[sflag:s17] =	ssyncset.done $0x0  }
0x26: {  	s20 =	simm.s32 $0x180;
	s19 =	simm.s32 $0x400;
	[sflag:s17] =	ssyncadd.s32 $0xFFFFF000  }
.LBB2_2:
0x27: {  	[tilespmem:s13], [sflag:$0x2] =	stream.indirect.gather [hbm4b:s3+s11], $0x20, s20, s11, $0xb8;
	[tilespmem:$0x3900] =	vst v63  }
0x28: {  	s20 =	smov.u32 s19  }
0x29: {  	p0 =	sne.s32 s19, $0x5C00;
	s19 =	sadd.s32 $0x400, s19;
	_ =	swait.ge [sflag:s14], $0x1000  }
0x2a: {  	[sflag:s14] =	ssyncset.done $0x0  }
0x2b: {  	s21 =	sadd.s32 s20, s9;
	[sflag:s14] =	ssyncadd.s32 $0xFFFFF000  }
0x2c: {  	[hbm4b:s21+s2] =	stream.linear.scatter [tilespmem:s12], [sflag:$0x3], $0x1000, $0x38;
	[tilespmem:$0x3900] =	vst v63  }
0x2d: {  	_ =	swait.ge [sflag:s15], $0x1000  }
0x2e: {  	[sflag:s15] =	ssyncset.done $0x0  }
0x2f: {  	s21 =	sadd.s32 s20, s8;
	[sflag:s15] =	ssyncadd.s32 $0xFFFFF000  }
0x30: {  	[hbm4b:s21+s2] =	stream.linear.scatter [tilespmem:s13], [sflag:$0x4], $0x1000, $0x38;
	[tilespmem:$0x3900] =	vst v63  }
0x31: {  	_ =	swait.ge [sflag:s16], $0x1000  }
0x32: {  	s20 =	sshra.s32 s20, $0x2;
	[sflag:s16] =	ssyncset.done $0x0  }
.Ltmp0:
0x33: {  	s21 =	sadd.s32 $0x100, s20;
	[sflag:s16] =	ssyncadd.s32 $0xFFFFF000;
	(pc) =	sbr.rel @p0 .LBB2_2-.Ltmp0, $4  }
0x34: {  	[tilespmem:s12], [sflag:$0x1] =	stream.indirect.gather [hbm4b:s3+s11], $0x20, s21, s11, $0xb8;
	[tilespmem:$0x3900] =	vst v63  }
0x35: {  	_ =	swait.ge [sflag:s17], $0x1000  }
0x36: {  	[sflag:s17] =	ssyncset.done $0x0  }
0x37: {  	s20 =	sadd.s32 $0x180, s20;
	[sflag:s17] =	ssyncadd.s32 $0xFFFFF000  }
0x38: {  	[tilespmem:s13], [sflag:$0x2] =	stream.indirect.gather [hbm4b:s3+s11], $0x20, s20, s11, $0xb8;
	[tilespmem:$0x3900] =	vst v63  }
0x39: {  	_ =	swait.ge [sflag:s14], $0x1000  }
0x3a: {  	[sflag:s14] =	ssyncset.done $0x0  }
0x3b: {  	[sflag:s14] =	ssyncadd.s32 $0xFFFFF000  }
0x3c: {  	[hbm4b:s6+s2] =	stream.linear.scatter [tilespmem:s12], [sflag:$0x3], $0x1000, $0x38;
	[tilespmem:$0x3900] =	vst v63  }
0x3d: {  	_ =	swait.ge [sflag:s15], $0x1000  }
0x3e: {  	[sflag:s15] =	ssyncset.done $0x0  }
0x3f: {  	s18 =	sadd.s32 $0x1, s18;
	[sflag:s15] =	ssyncadd.s32 $0xFFFFF000  }
0x40: {  	[hbm4b:s7+s2] =	stream.linear.scatter [tilespmem:s13], [sflag:$0x4], $0x1000, $0x38;
	[tilespmem:$0x3900] =	vst v63  }
0x41: {  	p0 =	sne.s32 s18, s5;
	_ =	swait.ge [sflag:s16], $0x1000  }
.Ltmp1:
0x42: {  	[sflag:s16] =	ssyncset.done $0x0;
	(pc) =	sbr.rel @p0 .LBB2_1-.Ltmp1, $4  }
0x43: {  	[sflag:s16] =	ssyncadd.s32 $0xFFFFF000  }
0x44: {  	_ =	swait.ge [sflag:s17], $0x1000  }
0x45: {  	[sflag:s17] =	ssyncset.done $0x0  }
0x46: {  	[sflag:s17] =	ssyncadd.s32 $0xFFFFF000  }
0x47: {  	_ =	sfence.sel $0x180000  }
0x48: {  	[bflag:$0x0] =	sbarrier.arrive $0xFFFF  }
0x49: {  	p0 =	sne.s32 s0, $0x0;
	_ =	strace $0x9000004A  }
0x4a: {  	s0 =	sadd.s32 @!p0 $0x100000, s1;
	[bflag:$0x2] =	sbarrier.arrive $0xFFFF  }
0x4b: {  	[sflag:s0] =	ssyncadd.tile.s32 @!p0 $0x1;
	_ =	shalt  }
.Lfunc_end2:
_tile_overlayer_lowered:
.L_overlay_start_2:
0x4c: {  	(tag) =	ssettag $0x2  }
0x4d: {  	s0 =	rddreg [dreg:$0x0];
	s2 =	stileid.u32  }
0x4e: {  	s1 =	rddreg [dreg:$0x1];
	p0 =	sne.s32 s2, $0x0  }
0x4f: {  	s3 =	rddreg [dreg:$0x2];
	[bflag:$0x3] =	sbarrier.arrive $0xFFFF;
	s2 =	simm.s32 @!p0 $0x1C05  }
0x50: {  	[timem:s3], [sflag:s2] =	dma.local @!p0 [hbm:s0], s1  }
0x51: {  	s0 =	simm.s32 @!p0 $0x5  }
0x52: {  	_ =	swait.ge @!p0 [sflag:s0], s1  }
0x53: {  	s1 =	ssub.s32 @!p0 $0x0, s1;
	[sflag:s0] =	ssyncset.done @!p0 $0x0  }
0x54: {  	[sflag:s0] =	ssyncadd.s32 @!p0 s1  }
0x55: {  	[bflag:$0x3] =	sbarrier.arrive $0xFFFF  }
0x56: {  	_ =	shalt  }

</sc_bundles>
